<compile_context>
chip_gen: v7x
topology: tpu7x:2x2x1
jax: 0.10.2.dev20260603
libtpu: 0.0.44.dev20260713+nightly
codegen_flags: <defaults>
</compile_context>

<pallas_src>
import jax
import jax.numpy as jnp
from jax import lax
from jax.experimental import pallas as pl
from jax.experimental.pallas import tpu as pltpu
from jax.experimental.pallas import tpu_sc as plsc

_NC = 2
_NS = 16
_NW = _NC * _NS
_CH = 32768


def _sc_body(a_hbm, idx_hbm, out_hbm, idxbuf, buf0, buf1, s_r0, s_r1, s_w0, s_w1):
    n = a_hbm.shape[0]
    span = n // _NW
    nch = span // _CH
    cid = lax.axis_index("c")
    sid = lax.axis_index("s")
    wid = sid * _NC + cid
    base = wid * span

    pltpu.sync_copy(idx_hbm, idxbuf.at[pl.ds(0, 1)])
    lanes = lax.broadcasted_iota(jnp.int32, (16,), 0)
    v = idxbuf[...]
    idx = jnp.max(jnp.where(lanes == 0, v, jnp.int32(-2147483647)))

    bufs = (buf0, buf1)
    rsem = (s_r0, s_r1)
    wsem = (s_w0, s_w1)

    def rd(i, b):
        return pltpu.make_async_copy(
            a_hbm.at[pl.ds(base + i * _CH, _CH)], bufs[b], rsem[b])

    def wr(i, b):
        return pltpu.make_async_copy(
            bufs[b], out_hbm.at[pl.ds(base + i * _CH, _CH)], wsem[b])

    rd(0, 0).start()
    for i in range(nch):
        b = i % 2
        rd(i, b).wait()
        if i + 1 < nch:
            if i >= 1:
                wr(i - 1, 1 - b).wait()
            rd(i + 1, 1 - b).start()

        cstart = base + i * _CH
        for t in range(2):
            rel = idx + t - cstart

            @pl.when(jnp.logical_and(rel >= 0, rel < _CH))
            def _fix(rel=rel, b=b):
                w0 = (rel // 16) * 16
                lane = rel - w0
                win = bufs[b][pl.ds(w0, 16)]
                bufs[b][pl.ds(w0, 16)] = jnp.where(
                    lanes == lane, jnp.float32(0), win)

        wr(i, b).start()
    wr(nch - 1, (nch - 1) % 2).wait()
    if nch >= 2:
        wr(nch - 2, nch % 2).wait()


def kernel(a, idx):
    n = a.shape[0]
    idx32 = idx.astype(jnp.int32)
    mesh = plsc.VectorSubcoreMesh(core_axis_name="c", subcore_axis_name="s")
    f = pl.kernel(
        _sc_body,
        out_type=jax.ShapeDtypeStruct((n,), a.dtype),
        mesh=mesh,
        compiler_params=pltpu.CompilerParams(needs_layout_passes=False),
        scratch_types=[
            pltpu.VMEM((16,), jnp.int32),
            pltpu.VMEM((_CH,), jnp.float32),
            pltpu.VMEM((_CH,), jnp.float32),
            pltpu.SemaphoreType.DMA,
            pltpu.SemaphoreType.DMA,
            pltpu.SemaphoreType.DMA,
            pltpu.SemaphoreType.DMA,
        ],
    )
    return f(a, idx32)

# --- scband reference (transcript-rebuilt; emitter-appended) ---
"""Pipeline reference for scband-indexer-88433376625223 (READ-ONLY COPY).

The authoritative reference and input builder live on the scoring server;
editing this copy changes nothing except your own understanding.
"""

import jax, jax.numpy as jnp
import numpy as np

N = 16777216

def setup_inputs(seed: int = 0) -> dict:
    key = jax.random.key(seed)
    k1, k2 = jax.random.split(key)
    a = jax.random.normal(k1, (N,), dtype=jnp.float32)
    idx = jax.random.randint(k2, (1,), 0, N - 2, dtype=jnp.int64)
    return {"a": a, "idx": idx}

def reference(a, idx):
    # Faithful translation of: a[idx:idx+2] = torch.tensor([0, 0]); return a
    i = jnp.squeeze(idx)
    zeros2 = jnp.zeros((2,), dtype=a.dtype)
    out = jax.lax.dynamic_update_slice(a, zeros2, (i,))
    return out

if __name__ == "__main__":
    import jax
    _d = setup_inputs()
    print(jax.jit(kernel)(*tuple(_d.values())))

</pallas_src>

<mosaic_0001>
#map = affine_map<(d0, d1) -> (0)>
module attributes {stable_mosaic.version = 14 : i64} {
  func.func @_sc_body(%arg0: i32, %arg1: i32, %arg2: memref<16777216xf32, #tpu.memory_space<hbm>>, %arg3: memref<1xi32, #tpu.memory_space<hbm>>, %arg4: memref<16777216xf32, #tpu.memory_space<hbm>>, %arg5: memref<16xi32, #tpu.memory_space<vmem>>, %arg6: memref<32768xf32, #tpu.memory_space<vmem>>, %arg7: memref<32768xf32, #tpu.memory_space<vmem>>, %arg8: memref<!tpu.dma_semaphore, #tpu.memory_space<semaphore_mem>>, %arg9: memref<!tpu.dma_semaphore, #tpu.memory_space<semaphore_mem>>, %arg10: memref<!tpu.dma_semaphore, #tpu.memory_space<semaphore_mem>>, %arg11: memref<!tpu.dma_semaphore, #tpu.memory_space<semaphore_mem>>) attributes {dimension_semantics = [#tpu.dimension_semantics<core_parallel>, #tpu.dimension_semantics<subcore_parallel>], iteration_bounds = array<i64: 2, 16>, scalar_prefetch = 0 : i64, scratch_operands = 7 : i64, tpu.core_type = #tpu.core_type<sc_vector_subcore>, window_params = [{transform_indices = #map}, {transform_indices = #map}, {transform_indices = #map}]} {
    %mul3A = arith.constant 2 : i32
    %mul3A_0 = arith.muli %arg1, %mul3A : i32
    %add3A = arith.addi %mul3A_0, %arg0 : i32
    %mul3A_1 = arith.constant 524288 : i32
    %mul3A_2 = arith.muli %add3A, %mul3A_1 : i32
    "tpu.region"() ({
      %run_scoped3A = tpu.sem_alloc : memref<!tpu.dma_semaphore, #tpu.memory_space<semaphore_mem>>
      %dma_start3A_645 = arith.constant 0 : i32
      %dma_start3A_646 = tpu.memref_slice %arg5[%dma_start3A_645] : memref<16xi32, #tpu.memory_space<vmem>> -> memref<1xi32, #tpu.memory_space<vmem>>
      %dma_start3A_647 = arith.constant 0 : i32
      %dma_start3A_648 = tpu.memref_slice %arg5[%dma_start3A_647] : memref<16xi32, #tpu.memory_space<vmem>> -> memref<1xi32, #tpu.memory_space<vmem>>
      tpu.enqueue_dma source(%arg3 : memref<1xi32, #tpu.memory_space<hbm>>) target(%dma_start3A_648 : memref<1xi32, #tpu.memory_space<vmem>>) target_semaphore(%run_scoped3A : memref<!tpu.dma_semaphore, #tpu.memory_space<semaphore_mem>>)
      %dma_wait3A_649 = arith.constant 0 : i32
      %dma_wait3A_650 = tpu.memref_slice %arg5[%dma_wait3A_649] : memref<16xi32, #tpu.memory_space<vmem>> -> memref<1xi32, #tpu.memory_space<vmem>>
      %dma_wait3A_651 = arith.constant 0 : i32
      %dma_wait3A_652 = tpu.memref_slice %arg5[%dma_wait3A_651] : memref<16xi32, #tpu.memory_space<vmem>> -> memref<1xi32, #tpu.memory_space<vmem>>
      tpu.wait_dma2 semaphore(%run_scoped3A : memref<!tpu.dma_semaphore, #tpu.memory_space<semaphore_mem>>) src(%arg3 : memref<1xi32, #tpu.memory_space<hbm>>) dst(%dma_wait3A_652 : memref<1xi32, #tpu.memory_space<vmem>>)
      tpu.yield
    }) : () -> ()
    %iota3A = tpu.iota {dimensions = array<i32: 0>} : vector<16xi32>
    %get3A = arith.constant 0 : index
    %get3A_3 = tpu.vector_load %arg5[%get3A] {strides = array<i32>} : memref<16xi32, #tpu.memory_space<vmem>>, vector<16xi32>,
    %eq3A = arith.constant 0 : i32
    %eq3A_4 = vector.broadcast %eq3A : i32 to vector<16xi32>
    %eq3A_5 = arith.cmpi eq, %iota3A, %eq3A_4 : vector<16xi32>
    %jit3A = arith.constant -2147483647 : i32
    %broadcast_in_dim3A = vector.broadcast %jit3A : i32 to vector<16xi32>
    %select_n3A = arith.select %eq3A_5, %get3A_3, %broadcast_in_dim3A : vector<16xi1>, vector<16xi32>
    %reduce_max3A = arith.constant true
    %reduce_max3A_6 = vector.broadcast %reduce_max3A : i1 to vector<16xi1>
    %reduce_max3A_7 = arith.constant -2147483648 : i32
    %reduce_max3A_8 = vector.broadcast %reduce_max3A_7 : i32 to vector<16xi32>
    %reduce_max3A_9 = arith.xori %select_n3A, %reduce_max3A_8 : vector<16xi32>
    %reduce_max3A_10 = tpu.scan <max>, %reduce_max3A_9 masked %reduce_max3A_6 : vector<16xi32>, vector<16xi1> -> vector<16xi32>
    %reduce_max3A_11 = arith.xori %reduce_max3A_10, %reduce_max3A_8 : vector<16xi32>
    %reduce_max3A_12 = vector.extract %reduce_max3A_11[15] : i32 from vector<16xi32>
    %add3A_13 = arith.constant 0 : i32
    %add3A_14 = arith.addi %mul3A_2, %add3A_13 : i32
    %dma_start3A = tpu.memref_slice %arg2[%add3A_14] : memref<16777216xf32, #tpu.memory_space<hbm>> -> memref<32768xf32, #tpu.memory_space<hbm>>
    %dma_start3A_15 = tpu.memref_slice %arg2[%add3A_14] : memref<16777216xf32, #tpu.memory_space<hbm>> -> memref<32768xf32, #tpu.memory_space<hbm>>
    tpu.enqueue_dma source(%dma_start3A_15 : memref<32768xf32, #tpu.memory_space<hbm>>) target(%arg6 : memref<32768xf32, #tpu.memory_space<vmem>>) target_semaphore(%arg8 : memref<!tpu.dma_semaphore, #tpu.memory_space<semaphore_mem>>)
    %add3A_16 = arith.constant 0 : i32
    %add3A_17 = arith.addi %mul3A_2, %add3A_16 : i32
    %dma_wait3A = tpu.memref_slice %arg2[%add3A_17] : memref<16777216xf32, #tpu.memory_space<hbm>> -> memref<32768xf32, #tpu.memory_space<hbm>>
    %dma_wait3A_18 = tpu.memref_slice %arg2[%add3A_17] : memref<16777216xf32, #tpu.memory_space<hbm>> -> memref<32768xf32, #tpu.memory_space<hbm>>
    tpu.wait_dma2 semaphore(%arg8 : memref<!tpu.dma_semaphore, #tpu.memory_space<semaphore_mem>>) src(%dma_wait3A_18 : memref<32768xf32, #tpu.memory_space<hbm>>) dst(%arg6 : memref<32768xf32, #tpu.memory_space<vmem>>)
    %add3A_19 = arith.constant 32768 : i32
    %add3A_20 = arith.addi %mul3A_2, %add3A_19 : i32
    %dma_start3A_21 = tpu.memref_slice %arg2[%add3A_20] : memref<16777216xf32, #tpu.memory_space<hbm>> -> memref<32768xf32, #tpu.memory_space<hbm>>
    %dma_start3A_22 = tpu.memref_slice %arg2[%add3A_20] : memref<16777216xf32, #tpu.memory_space<hbm>> -> memref<32768xf32, #tpu.memory_space<hbm>>
    tpu.enqueue_dma source(%dma_start3A_22 : memref<32768xf32, #tpu.memory_space<hbm>>) target(%arg7 : memref<32768xf32, #tpu.memory_space<vmem>>) target_semaphore(%arg9 : memref<!tpu.dma_semaphore, #tpu.memory_space<semaphore_mem>>)
    %add3A_23 = arith.constant 0 : i32
    %add3A_24 = arith.addi %mul3A_2, %add3A_23 : i32
    %add3A_25 = arith.constant 0 : i32
    %add3A_26 = arith.addi %reduce_max3A_12, %add3A_25 : i32
    %sub3A = arith.subi %add3A_26, %add3A_24 : i32
    %ge3A = arith.constant 0 : i32
    %ge3A_27 = arith.cmpi sge, %sub3A, %ge3A : i32
    %lt3A = arith.constant 32768 : i32
    %lt3A_28 = arith.cmpi slt, %sub3A, %lt3A : i32
    %and3A = arith.andi %ge3A_27, %lt3A_28 : i1
    %convert_element_type3A = arith.extui %and3A : i1 to i32
    %cond3A = arith.constant 0 : i32
    %cond3A_29 = arith.cmpi ne, %convert_element_type3A, %cond3A : i32
    scf.if %cond3A_29 {
      %jit3A_645 = arith.constant 16 : i32
      %div3A = arith.divsi %sub3A, %jit3A_645 : i32
      %sign3A = arith.constant 0 : i32
      %sign3A_646 = arith.cmpi sgt, %sub3A, %sign3A : i32
      %sign3A_647 = arith.extui %sign3A_646 : i1 to i32
      %sign3A_648 = arith.constant 0 : i32
      %sign3A_649 = arith.cmpi slt, %sub3A, %sign3A_648 : i32
      %sign3A_650 = arith.extui %sign3A_649 : i1 to i32
      %sign3A_651 = arith.subi %sign3A_647, %sign3A_650 : i32
      %sign3A_652 = arith.constant 0 : i32
      %sign3A_653 = arith.cmpi sgt, %jit3A_645, %sign3A_652 : i32
      %sign3A_654 = arith.extui %sign3A_653 : i1 to i32
      %sign3A_655 = arith.constant 0 : i32
      %sign3A_656 = arith.cmpi slt, %jit3A_645, %sign3A_655 : i32
      %sign3A_657 = arith.extui %sign3A_656 : i1 to i32
      %sign3A_658 = arith.subi %sign3A_654, %sign3A_657 : i32
      %ne3A = arith.cmpi ne, %sign3A_651, %sign3A_658 : i32
      %rem3A = arith.remsi %sub3A, %jit3A_645 : i32
      %ne3A_659 = arith.constant 0 : i32
      %ne3A_660 = arith.cmpi ne, %rem3A, %ne3A_659 : i32
      %and3A_661 = arith.andi %ne3A, %ne3A_660 : i1
      %sub3A_662 = arith.constant 1 : i32
      %sub3A_663 = arith.subi %div3A, %sub3A_662 : i32
      %select_n3A_664 = arith.select %and3A_661, %sub3A_663, %div3A : i32
      %mul3A_665 = arith.constant 16 : i32
      %mul3A_666 = arith.muli %select_n3A_664, %mul3A_665 : i32
      %sub3A_667 = arith.subi %sub3A, %mul3A_666 : i32
      %get3A_668 = arith.index_cast %mul3A_666 : i32 to index
      %get3A_669 = tpu.vector_load %arg6[%get3A_668] {strides = array<i32>} : memref<32768xf32, #tpu.memory_space<vmem>>, vector<16xf32>,
      %eq3A_670 = vector.broadcast %sub3A_667 : i32 to vector<16xi32>
      %eq3A_671 = arith.cmpi eq, %iota3A, %eq3A_670 : vector<16xi32>
      %jit3A_672 = arith.constant 0.000000e+00 : f32
      %broadcast_in_dim3A_673 = vector.broadcast %jit3A_672 : f32 to vector<16xf32>
      %select_n3A_674 = arith.select %eq3A_671, %broadcast_in_dim3A_673, %get3A_669 : vector<16xi1>, vector<16xf32>
      %swap3A = arith.index_cast %mul3A_666 : i32 to index
      %swap3A_675 = tpu.vector_load %arg6[%swap3A] {strides = array<i32>} : memref<32768xf32, #tpu.memory_space<vmem>>, vector<16xf32>,
      tpu.vector_store %arg6[%swap3A], %select_n3A_674 {strides = array<i32>} : memref<32768xf32, #tpu.memory_space<vmem>>, vector<16xf32>,
    } else {
    }
    %add3A_30 = arith.constant 1 : i32
    %add3A_31 = arith.addi %reduce_max3A_12, %add3A_30 : i32
    %sub3A_32 = arith.subi %add3A_31, %add3A_24 : i32
    %ge3A_33 = arith.constant 0 : i32
    %ge3A_34 = arith.cmpi sge, %sub3A_32, %ge3A_33 : i32
    %lt3A_35 = arith.constant 32768 : i32
    %lt3A_36 = arith.cmpi slt, %sub3A_32, %lt3A_35 : i32
    %and3A_37 = arith.andi %ge3A_34, %lt3A_36 : i1
    %convert_element_type3A_38 = arith.extui %and3A_37 : i1 to i32
    %cond3A_39 = arith.constant 0 : i32
    %cond3A_40 = arith.cmpi ne, %convert_element_type3A_38, %cond3A_39 : i32
    scf.if %cond3A_40 {
      %jit3A_645 = arith.constant 16 : i32
      %div3A = arith.divsi %sub3A_32, %jit3A_645 : i32
      %sign3A = arith.constant 0 : i32
      %sign3A_646 = arith.cmpi sgt, %sub3A_32, %sign3A : i32
      %sign3A_647 = arith.extui %sign3A_646 : i1 to i32
      %sign3A_648 = arith.constant 0 : i32
      %sign3A_649 = arith.cmpi slt, %sub3A_32, %sign3A_648 : i32
      %sign3A_650 = arith.extui %sign3A_649 : i1 to i32
      %sign3A_651 = arith.subi %sign3A_647, %sign3A_650 : i32
      %sign3A_652 = arith.constant 0 : i32
      %sign3A_653 = arith.cmpi sgt, %jit3A_645, %sign3A_652 : i32
      %sign3A_654 = arith.extui %sign3A_653 : i1 to i32
      %sign3A_655 = arith.constant 0 : i32
      %sign3A_656 = arith.cmpi slt, %jit3A_645, %sign3A_655 : i32
      %sign3A_657 = arith.extui %sign3A_656 : i1 to i32
      %sign3A_658 = arith.subi %sign3A_654, %sign3A_657 : i32
      %ne3A = arith.cmpi ne, %sign3A_651, %sign3A_658 : i32
      %rem3A = arith.remsi %sub3A_32, %jit3A_645 : i32
      %ne3A_659 = arith.constant 0 : i32
      %ne3A_660 = arith.cmpi ne, %rem3A, %ne3A_659 : i32
      %and3A_661 = arith.andi %ne3A, %ne3A_660 : i1
      %sub3A_662 = arith.constant 1 : i32
      %sub3A_663 = arith.subi %div3A, %sub3A_662 : i32
      %select_n3A_664 = arith.select %and3A_661, %sub3A_663, %div3A : i32
      %mul3A_665 = arith.constant 16 : i32
      %mul3A_666 = arith.muli %select_n3A_664, %mul3A_665 : i32
      %sub3A_667 = arith.subi %sub3A_32, %mul3A_666 : i32
      %get3A_668 = arith.index_cast %mul3A_666 : i32 to index
      %get3A_669 = tpu.vector_load %arg6[%get3A_668] {strides = array<i32>} : memref<32768xf32, #tpu.memory_space<vmem>>, vector<16xf32>,
      %eq3A_670 = vector.broadcast %sub3A_667 : i32 to vector<16xi32>
      %eq3A_671 = arith.cmpi eq, %iota3A, %eq3A_670 : vector<16xi32>
      %jit3A_672 = arith.constant 0.000000e+00 : f32
      %broadcast_in_dim3A_673 = vector.broadcast %jit3A_672 : f32 to vector<16xf32>
      %select_n3A_674 = arith.select %eq3A_671, %broadcast_in_dim3A_673, %get3A_669 : vector<16xi1>, vector<16xf32>
      %swap3A = arith.index_cast %mul3A_666 : i32 to index
      %swap3A_675 = tpu.vector_load %arg6[%swap3A] {strides = array<i32>} : memref<32768xf32, #tpu.memory_space<vmem>>, vector<16xf32>,
      tpu.vector_store %arg6[%swap3A], %select_n3A_674 {strides = array<i32>} : memref<32768xf32, #tpu.memory_space<vmem>>, vector<16xf32>,
    } else {
    }
    %add3A_41 = arith.constant 0 : i32
    %add3A_42 = arith.addi %mul3A_2, %add3A_41 : i32
    %dma_start3A_43 = tpu.memref_slice %arg4[%add3A_42] : memref<16777216xf32, #tpu.memory_space<hbm>> -> memref<32768xf32, #tpu.memory_space<hbm>>
    %dma_start3A_44 = tpu.memref_slice %arg4[%add3A_42] : memref<16777216xf32, #tpu.memory_space<hbm>> -> memref<32768xf32, #tpu.memory_space<hbm>>
    tpu.enqueue_dma source(%arg6 : memref<32768xf32, #tpu.memory_space<vmem>>) target(%dma_start3A_44 : memref<32768xf32, #tpu.memory_space<hbm>>) target_semaphore(%arg10 : memref<!tpu.dma_semaphore, #tpu.memory_space<semaphore_mem>>)
    %add3A_45 = arith.constant 32768 : i32
    %add3A_46 = arith.addi %mul3A_2, %add3A_45 : i32
    %dma_wait3A_47 = tpu.memref_slice %arg2[%add3A_46] : memref<16777216xf32, #tpu.memory_space<hbm>> -> memref<32768xf32, #tpu.memory_space<hbm>>
    %dma_wait3A_48 = tpu.memref_slice %arg2[%add3A_46] : memref<16777216xf32, #tpu.memory_space<hbm>> -> memref<32768xf32, #tpu.memory_space<hbm>>
    tpu.wait_dma2 semaphore(%arg9 : memref<!tpu.dma_semaphore, #tpu.memory_space<semaphore_mem>>) src(%dma_wait3A_48 : memref<32768xf32, #tpu.memory_space<hbm>>) dst(%arg7 : memref<32768xf32, #tpu.memory_space<vmem>>)
    %add3A_49 = arith.constant 0 : i32
    %add3A_50 = arith.addi %mul3A_2, %add3A_49 : i32
    %dma_wait3A_51 = tpu.memref_slice %arg4[%add3A_50] : memref<16777216xf32, #tpu.memory_space<hbm>> -> memref<32768xf32, #tpu.memory_space<hbm>>
    %dma_wait3A_52 = tpu.memref_slice %arg4[%add3A_50] : memref<16777216xf32, #tpu.memory_space<hbm>> -> memref<32768xf32, #tpu.memory_space<hbm>>
    tpu.wait_dma2 semaphore(%arg10 : memref<!tpu.dma_semaphore, #tpu.memory_space<semaphore_mem>>) src(%arg6 : memref<32768xf32, #tpu.memory_space<vmem>>) dst(%dma_wait3A_52 : memref<32768xf32, #tpu.memory_space<hbm>>)
    %add3A_53 = arith.constant 65536 : i32
    %add3A_54 = arith.addi %mul3A_2, %add3A_53 : i32
    %dma_start3A_55 = tpu.memref_slice %arg2[%add3A_54] : memref<16777216xf32, #tpu.memory_space<hbm>> -> memref<32768xf32, #tpu.memory_space<hbm>>
    %dma_start3A_56 = tpu.memref_slice %arg2[%add3A_54] : memref<16777216xf32, #tpu.memory_space<hbm>> -> memref<32768xf32, #tpu.memory_space<hbm>>
    tpu.enqueue_dma source(%dma_start3A_56 : memref<32768xf32, #tpu.memory_space<hbm>>) target(%arg6 : memref<32768xf32, #tpu.memory_space<vmem>>) target_semaphore(%arg8 : memref<!tpu.dma_semaphore, #tpu.memory_space<semaphore_mem>>)
    %add3A_57 = arith.constant 32768 : i32
    %add3A_58 = arith.addi %mul3A_2, %add3A_57 : i32
    %add3A_59 = arith.constant 0 : i32
    %add3A_60 = arith.addi %reduce_max3A_12, %add3A_59 : i32
    %sub3A_61 = arith.subi %add3A_60, %add3A_58 : i32
    %ge3A_62 = arith.constant 0 : i32
    %ge3A_63 = arith.cmpi sge, %sub3A_61, %ge3A_62 : i32
    %lt3A_64 = arith.constant 32768 : i32
    %lt3A_65 = arith.cmpi slt, %sub3A_61, %lt3A_64 : i32
    %and3A_66 = arith.andi %ge3A_63, %lt3A_65 : i1
    %convert_element_type3A_67 = arith.extui %and3A_66 : i1 to i32
    %cond3A_68 = arith.constant 0 : i32
    %cond3A_69 = arith.cmpi ne, %convert_element_type3A_67, %cond3A_68 : i32
    scf.if %cond3A_69 {
      %jit3A_645 = arith.constant 16 : i32
      %div3A = arith.divsi %sub3A_61, %jit3A_645 : i32
      %sign3A = arith.constant 0 : i32
      %sign3A_646 = arith.cmpi sgt, %sub3A_61, %sign3A : i32
      %sign3A_647 = arith.extui %sign3A_646 : i1 to i32
      %sign3A_648 = arith.constant 0 : i32
      %sign3A_649 = arith.cmpi slt, %sub3A_61, %sign3A_648 : i32
      %sign3A_650 = arith.extui %sign3A_649 : i1 to i32
      %sign3A_651 = arith.subi %sign3A_647, %sign3A_650 : i32
      %sign3A_652 = arith.constant 0 : i32
      %sign3A_653 = arith.cmpi sgt, %jit3A_645, %sign3A_652 : i32
      %sign3A_654 = arith.extui %sign3A_653 : i1 to i32
      %sign3A_655 = arith.constant 0 : i32
      %sign3A_656 = arith.cmpi slt, %jit3A_645, %sign3A_655 : i32
      %sign3A_657 = arith.extui %sign3A_656 : i1 to i32
      %sign3A_658 = arith.subi %sign3A_654, %sign3A_657 : i32
      %ne3A = arith.cmpi ne, %sign3A_651, %sign3A_658 : i32
      %rem3A = arith.remsi %sub3A_61, %jit3A_645 : i32
      %ne3A_659 = arith.constant 0 : i32
      %ne3A_660 = arith.cmpi ne, %rem3A, %ne3A_659 : i32
      %and3A_661 = arith.andi %ne3A, %ne3A_660 : i1
      %sub3A_662 = arith.constant 1 : i32
      %sub3A_663 = arith.subi %div3A, %sub3A_662 : i32
      %select_n3A_664 = arith.select %and3A_661, %sub3A_663, %div3A : i32
      %mul3A_665 = arith.constant 16 : i32
      %mul3A_666 = arith.muli %select_n3A_664, %mul3A_665 : i32
      %sub3A_667 = arith.subi %sub3A_61, %mul3A_666 : i32
      %get3A_668 = arith.index_cast %mul3A_666 : i32 to index
      %get3A_669 = tpu.vector_load %arg7[%get3A_668] {strides = array<i32>} : memref<32768xf32, #tpu.memory_space<vmem>>, vector<16xf32>,
      %eq3A_670 = vector.broadcast %sub3A_667 : i32 to vector<16xi32>
      %eq3A_671 = arith.cmpi eq, %iota3A, %eq3A_670 : vector<16xi32>
      %jit3A_672 = arith.constant 0.000000e+00 : f32
      %broadcast_in_dim3A_673 = vector.broadcast %jit3A_672 : f32 to vector<16xf32>
      %select_n3A_674 = arith.select %eq3A_671, %broadcast_in_dim3A_673, %get3A_669 : vector<16xi1>, vector<16xf32>
      %swap3A = arith.index_cast %mul3A_666 : i32 to index
      %swap3A_675 = tpu.vector_load %arg7[%swap3A] {strides = array<i32>} : memref<32768xf32, #tpu.memory_space<vmem>>, vector<16xf32>,
      tpu.vector_store %arg7[%swap3A], %select_n3A_674 {strides = array<i32>} : memref<32768xf32, #tpu.memory_space<vmem>>, vector<16xf32>,
    } else {
    }
    %add3A_70 = arith.constant 1 : i32
    %add3A_71 = arith.addi %reduce_max3A_12, %add3A_70 : i32
    %sub3A_72 = arith.subi %add3A_71, %add3A_58 : i32
    %ge3A_73 = arith.constant 0 : i32
    %ge3A_74 = arith.cmpi sge, %sub3A_72, %ge3A_73 : i32
    %lt3A_75 = arith.constant 32768 : i32
    %lt3A_76 = arith.cmpi slt, %sub3A_72, %lt3A_75 : i32
    %and3A_77 = arith.andi %ge3A_74, %lt3A_76 : i1
    %convert_element_type3A_78 = arith.extui %and3A_77 : i1 to i32
    %cond3A_79 = arith.constant 0 : i32
    %cond3A_80 = arith.cmpi ne, %convert_element_type3A_78, %cond3A_79 : i32
    scf.if %cond3A_80 {
      %jit3A_645 = arith.constant 16 : i32
      %div3A = arith.divsi %sub3A_72, %jit3A_645 : i32
      %sign3A = arith.constant 0 : i32
      %sign3A_646 = arith.cmpi sgt, %sub3A_72, %sign3A : i32
      %sign3A_647 = arith.extui %sign3A_646 : i1 to i32
      %sign3A_648 = arith.constant 0 : i32
      %sign3A_649 = arith.cmpi slt, %sub3A_72, %sign3A_648 : i32
      %sign3A_650 = arith.extui %sign3A_649 : i1 to i32
      %sign3A_651 = arith.subi %sign3A_647, %sign3A_650 : i32
      %sign3A_652 = arith.constant 0 : i32
      %sign3A_653 = arith.cmpi sgt, %jit3A_645, %sign3A_652 : i32
      %sign3A_654 = arith.extui %sign3A_653 : i1 to i32
      %sign3A_655 = arith.constant 0 : i32
      %sign3A_656 = arith.cmpi slt, %jit3A_645, %sign3A_655 : i32
      %sign3A_657 = arith.extui %sign3A_656 : i1 to i32
      %sign3A_658 = arith.subi %sign3A_654, %sign3A_657 : i32
      %ne3A = arith.cmpi ne, %sign3A_651, %sign3A_658 : i32
      %rem3A = arith.remsi %sub3A_72, %jit3A_645 : i32
      %ne3A_659 = arith.constant 0 : i32
      %ne3A_660 = arith.cmpi ne, %rem3A, %ne3A_659 : i32
      %and3A_661 = arith.andi %ne3A, %ne3A_660 : i1
      %sub3A_662 = arith.constant 1 : i32
      %sub3A_663 = arith.subi %div3A, %sub3A_662 : i32
      %select_n3A_664 = arith.select %and3A_661, %sub3A_663, %div3A : i32
      %mul3A_665 = arith.constant 16 : i32
      %mul3A_666 = arith.muli %select_n3A_664, %mul3A_665 : i32
      %sub3A_667 = arith.subi %sub3A_72, %mul3A_666 : i32
      %get3A_668 = arith.index_cast %mul3A_666 : i32 to index
      %get3A_669 = tpu.vector_load %arg7[%get3A_668] {strides = array<i32>} : memref<32768xf32, #tpu.memory_space<vmem>>, vector<16xf32>,
      %eq3A_670 = vector.broadcast %sub3A_667 : i32 to vector<16xi32>
      %eq3A_671 = arith.cmpi eq, %iota3A, %eq3A_670 : vector<16xi32>
      %jit3A_672 = arith.constant 0.000000e+00 : f32
      %broadcast_in_dim3A_673 = vector.broadcast %jit3A_672 : f32 to vector<16xf32>
      %select_n3A_674 = arith.select %eq3A_671, %broadcast_in_dim3A_673, %get3A_669 : vector<16xi1>, vector<16xf32>
      %swap3A = arith.index_cast %mul3A_666 : i32 to index
      %swap3A_675 = tpu.vector_load %arg7[%swap3A] {strides = array<i32>} : memref<32768xf32, #tpu.memory_space<vmem>>, vector<16xf32>,
      tpu.vector_store %arg7[%swap3A], %select_n3A_674 {strides = array<i32>} : memref<32768xf32, #tpu.memory_space<vmem>>, vector<16xf32>,
    } else {
    }
    %add3A_81 = arith.constant 32768 : i32
    %add3A_82 = arith.addi %mul3A_2, %add3A_81 : i32
    %dma_start3A_83 = tpu.memref_slice %arg4[%add3A_82] : memref<16777216xf32, #tpu.memory_space<hbm>> -> memref<32768xf32, #tpu.memory_space<hbm>>
    %dma_start3A_84 = tpu.memref_slice %arg4[%add3A_82] : memref<16777216xf32, #tpu.memory_space<hbm>> -> memref<32768xf32, #tpu.memory_space<hbm>>
    tpu.enqueue_dma source(%arg7 : memref<32768xf32, #tpu.memory_space<vmem>>) target(%dma_start3A_84 : memref<32768xf32, #tpu.memory_space<hbm>>) target_semaphore(%arg11 : memref<!tpu.dma_semaphore, #tpu.memory_space<semaphore_mem>>)
    %add3A_85 = arith.constant 65536 : i32
    %add3A_86 = arith.addi %mul3A_2, %add3A_85 : i32
    %dma_wait3A_87 = tpu.memref_slice %arg2[%add3A_86] : memref<16777216xf32, #tpu.memory_space<hbm>> -> memref<32768xf32, #tpu.memory_space<hbm>>
    %dma_wait3A_88 = tpu.memref_slice %arg2[%add3A_86] : memref<16777216xf32, #tpu.memory_space<hbm>> -> memref<32768xf32, #tpu.memory_space<hbm>>
    tpu.wait_dma2 semaphore(%arg8 : memref<!tpu.dma_semaphore, #tpu.memory_space<semaphore_mem>>) src(%dma_wait3A_88 : memref<32768xf32, #tpu.memory_space<hbm>>) dst(%arg6 : memref<32768xf32, #tpu.memory_space<vmem>>)
    %add3A_89 = arith.constant 32768 : i32
    %add3A_90 = arith.addi %mul3A_2, %add3A_89 : i32
    %dma_wait3A_91 = tpu.memref_slice %arg4[%add3A_90] : memref<16777216xf32, #tpu.memory_space<hbm>> -> memref<32768xf32, #tpu.memory_space<hbm>>
    %dma_wait3A_92 = tpu.memref_slice %arg4[%add3A_90] : memref<16777216xf32, #tpu.memory_space<hbm>> -> memref<32768xf32, #tpu.memory_space<hbm>>
    tpu.wait_dma2 semaphore(%arg11 : memref<!tpu.dma_semaphore, #tpu.memory_space<semaphore_mem>>) src(%arg7 : memref<32768xf32, #tpu.memory_space<vmem>>) dst(%dma_wait3A_92 : memref<32768xf32, #tpu.memory_space<hbm>>)
    %add3A_93 = arith.constant 98304 : i32
    %add3A_94 = arith.addi %mul3A_2, %add3A_93 : i32
    %dma_start3A_95 = tpu.memref_slice %arg2[%add3A_94] : memref<16777216xf32, #tpu.memory_space<hbm>> -> memref<32768xf32, #tpu.memory_space<hbm>>
    %dma_start3A_96 = tpu.memref_slice %arg2[%add3A_94] : memref<16777216xf32, #tpu.memory_space<hbm>> -> memref<32768xf32, #tpu.memory_space<hbm>>
    tpu.enqueue_dma source(%dma_start3A_96 : memref<32768xf32, #tpu.memory_space<hbm>>) target(%arg7 : memref<32768xf32, #tpu.memory_space<vmem>>) target_semaphore(%arg9 : memref<!tpu.dma_semaphore, #tpu.memory_space<semaphore_mem>>)
    %add3A_97 = arith.constant 65536 : i32
    %add3A_98 = arith.addi %mul3A_2, %add3A_97 : i32
    %add3A_99 = arith.constant 0 : i32
    %add3A_100 = arith.addi %reduce_max3A_12, %add3A_99 : i32
    %sub3A_101 = arith.subi %add3A_100, %add3A_98 : i32
    %ge3A_102 = arith.constant 0 : i32
    %ge3A_103 = arith.cmpi sge, %sub3A_101, %ge3A_102 : i32
    %lt3A_104 = arith.constant 32768 : i32
    %lt3A_105 = arith.cmpi slt, %sub3A_101, %lt3A_104 : i32
    %and3A_106 = arith.andi %ge3A_103, %lt3A_105 : i1
    %convert_element_type3A_107 = arith.extui %and3A_106 : i1 to i32
    %cond3A_108 = arith.constant 0 : i32
    %cond3A_109 = arith.cmpi ne, %convert_element_type3A_107, %cond3A_108 : i32
    scf.if %cond3A_109 {
      %jit3A_645 = arith.constant 16 : i32
      %div3A = arith.divsi %sub3A_101, %jit3A_645 : i32
      %sign3A = arith.constant 0 : i32
      %sign3A_646 = arith.cmpi sgt, %sub3A_101, %sign3A : i32
      %sign3A_647 = arith.extui %sign3A_646 : i1 to i32
      %sign3A_648 = arith.constant 0 : i32
      %sign3A_649 = arith.cmpi slt, %sub3A_101, %sign3A_648 : i32
      %sign3A_650 = arith.extui %sign3A_649 : i1 to i32
      %sign3A_651 = arith.subi %sign3A_647, %sign3A_650 : i32
      %sign3A_652 = arith.constant 0 : i32
      %sign3A_653 = arith.cmpi sgt, %jit3A_645, %sign3A_652 : i32
      %sign3A_654 = arith.extui %sign3A_653 : i1 to i32
      %sign3A_655 = arith.constant 0 : i32
      %sign3A_656 = arith.cmpi slt, %jit3A_645, %sign3A_655 : i32
      %sign3A_657 = arith.extui %sign3A_656 : i1 to i32
      %sign3A_658 = arith.subi %sign3A_654, %sign3A_657 : i32
      %ne3A = arith.cmpi ne, %sign3A_651, %sign3A_658 : i32
      %rem3A = arith.remsi %sub3A_101, %jit3A_645 : i32
      %ne3A_659 = arith.constant 0 : i32
      %ne3A_660 = arith.cmpi ne, %rem3A, %ne3A_659 : i32
      %and3A_661 = arith.andi %ne3A, %ne3A_660 : i1
      %sub3A_662 = arith.constant 1 : i32
      %sub3A_663 = arith.subi %div3A, %sub3A_662 : i32
      %select_n3A_664 = arith.select %and3A_661, %sub3A_663, %div3A : i32
      %mul3A_665 = arith.constant 16 : i32
      %mul3A_666 = arith.muli %select_n3A_664, %mul3A_665 : i32
      %sub3A_667 = arith.subi %sub3A_101, %mul3A_666 : i32
      %get3A_668 = arith.index_cast %mul3A_666 : i32 to index
      %get3A_669 = tpu.vector_load %arg6[%get3A_668] {strides = array<i32>} : memref<32768xf32, #tpu.memory_space<vmem>>, vector<16xf32>,
      %eq3A_670 = vector.broadcast %sub3A_667 : i32 to vector<16xi32>
      %eq3A_671 = arith.cmpi eq, %iota3A, %eq3A_670 : vector<16xi32>
      %jit3A_672 = arith.constant 0.000000e+00 : f32
      %broadcast_in_dim3A_673 = vector.broadcast %jit3A_672 : f32 to vector<16xf32>
      %select_n3A_674 = arith.select %eq3A_671, %broadcast_in_dim3A_673, %get3A_669 : vector<16xi1>, vector<16xf32>
      %swap3A = arith.index_cast %mul3A_666 : i32 to index
      %swap3A_675 = tpu.vector_load %arg6[%swap3A] {strides = array<i32>} : memref<32768xf32, #tpu.memory_space<vmem>>, vector<16xf32>,
      tpu.vector_store %arg6[%swap3A], %select_n3A_674 {strides = array<i32>} : memref<32768xf32, #tpu.memory_space<vmem>>, vector<16xf32>,
    } else {
    }
    %add3A_110 = arith.constant 1 : i32
    %add3A_111 = arith.addi %reduce_max3A_12, %add3A_110 : i32
    %sub3A_112 = arith.subi %add3A_111, %add3A_98 : i32
    %ge3A_113 = arith.constant 0 : i32
    %ge3A_114 = arith.cmpi sge, %sub3A_112, %ge3A_113 : i32
    %lt3A_115 = arith.constant 32768 : i32
    %lt3A_116 = arith.cmpi slt, %sub3A_112, %lt3A_115 : i32
    %and3A_117 = arith.andi %ge3A_114, %lt3A_116 : i1
    %convert_element_type3A_118 = arith.extui %and3A_117 : i1 to i32
    %cond3A_119 = arith.constant 0 : i32
    %cond3A_120 = arith.cmpi ne, %convert_element_type3A_118, %cond3A_119 : i32
    scf.if %cond3A_120 {
      %jit3A_645 = arith.constant 16 : i32
      %div3A = arith.divsi %sub3A_112, %jit3A_645 : i32
      %sign3A = arith.constant 0 : i32
      %sign3A_646 = arith.cmpi sgt, %sub3A_112, %sign3A : i32
      %sign3A_647 = arith.extui %sign3A_646 : i1 to i32
      %sign3A_648 = arith.constant 0 : i32
      %sign3A_649 = arith.cmpi slt, %sub3A_112, %sign3A_648 : i32
      %sign3A_650 = arith.extui %sign3A_649 : i1 to i32
      %sign3A_651 = arith.subi %sign3A_647, %sign3A_650 : i32
      %sign3A_652 = arith.constant 0 : i32
      %sign3A_653 = arith.cmpi sgt, %jit3A_645, %sign3A_652 : i32
      %sign3A_654 = arith.extui %sign3A_653 : i1 to i32
      %sign3A_655 = arith.constant 0 : i32
      %sign3A_656 = arith.cmpi slt, %jit3A_645, %sign3A_655 : i32
      %sign3A_657 = arith.extui %sign3A_656 : i1 to i32
      %sign3A_658 = arith.subi %sign3A_654, %sign3A_657 : i32
      %ne3A = arith.cmpi ne, %sign3A_651, %sign3A_658 : i32
      %rem3A = arith.remsi %sub3A_112, %jit3A_645 : i32
      %ne3A_659 = arith.constant 0 : i32
      %ne3A_660 = arith.cmpi ne, %rem3A, %ne3A_659 : i32
      %and3A_661 = arith.andi %ne3A, %ne3A_660 : i1
      %sub3A_662 = arith.constant 1 : i32
      %sub3A_663 = arith.subi %div3A, %sub3A_662 : i32
      %select_n3A_664 = arith.select %and3A_661, %sub3A_663, %div3A : i32
      %mul3A_665 = arith.constant 16 : i32
      %mul3A_666 = arith.muli %select_n3A_664, %mul3A_665 : i32
      %sub3A_667 = arith.subi %sub3A_112, %mul3A_666 : i32
      %get3A_668 = arith.index_cast %mul3A_666 : i32 to index
      %get3A_669 = tpu.vector_load %arg6[%get3A_668] {strides = array<i32>} : memref<32768xf32, #tpu.memory_space<vmem>>, vector<16xf32>,
      %eq3A_670 = vector.broadcast %sub3A_667 : i32 to vector<16xi32>
      %eq3A_671 = arith.cmpi eq, %iota3A, %eq3A_670 : vector<16xi32>
      %jit3A_672 = arith.constant 0.000000e+00 : f32
      %broadcast_in_dim3A_673 = vector.broadcast %jit3A_672 : f32 to vector<16xf32>
      %select_n3A_674 = arith.select %eq3A_671, %broadcast_in_dim3A_673, %get3A_669 : vector<16xi1>, vector<16xf32>
      %swap3A = arith.index_cast %mul3A_666 : i32 to index
      %swap3A_675 = tpu.vector_load %arg6[%swap3A] {strides = array<i32>} : memref<32768xf32, #tpu.memory_space<vmem>>, vector<16xf32>,
      tpu.vector_store %arg6[%swap3A], %select_n3A_674 {strides = array<i32>} : memref<32768xf32, #tpu.memory_space<vmem>>, vector<16xf32>,
    } else {
    }
    %add3A_121 = arith.constant 65536 : i32
    %add3A_122 = arith.addi %mul3A_2, %add3A_121 : i32
    %dma_start3A_123 = tpu.memref_slice %arg4[%add3A_122] : memref<16777216xf32, #tpu.memory_space<hbm>> -> memref<32768xf32, #tpu.memory_space<hbm>>
    %dma_start3A_124 = tpu.memref_slice %arg4[%add3A_122] : memref<16777216xf32, #tpu.memory_space<hbm>> -> memref<32768xf32, #tpu.memory_space<hbm>>
    tpu.enqueue_dma source(%arg6 : memref<32768xf32, #tpu.memory_space<vmem>>) target(%dma_start3A_124 : memref<32768xf32, #tpu.memory_space<hbm>>) target_semaphore(%arg10 : memref<!tpu.dma_semaphore, #tpu.memory_space<semaphore_mem>>)
    %add3A_125 = arith.constant 98304 : i32
    %add3A_126 = arith.addi %mul3A_2, %add3A_125 : i32
    %dma_wait3A_127 = tpu.memref_slice %arg2[%add3A_126] : memref<16777216xf32, #tpu.memory_space<hbm>> -> memref<32768xf32, #tpu.memory_space<hbm>>
    %dma_wait3A_128 = tpu.memref_slice %arg2[%add3A_126] : memref<16777216xf32, #tpu.memory_space<hbm>> -> memref<32768xf32, #tpu.memory_space<hbm>>
    tpu.wait_dma2 semaphore(%arg9 : memref<!tpu.dma_semaphore, #tpu.memory_space<semaphore_mem>>) src(%dma_wait3A_128 : memref<32768xf32, #tpu.memory_space<hbm>>) dst(%arg7 : memref<32768xf32, #tpu.memory_space<vmem>>)
    %add3A_129 = arith.constant 65536 : i32
    %add3A_130 = arith.addi %mul3A_2, %add3A_129 : i32
    %dma_wait3A_131 = tpu.memref_slice %arg4[%add3A_130] : memref<16777216xf32, #tpu.memory_space<hbm>> -> memref<32768xf32, #tpu.memory_space<hbm>>
    %dma_wait3A_132 = tpu.memref_slice %arg4[%add3A_130] : memref<16777216xf32, #tpu.memory_space<hbm>> -> memref<32768xf32, #tpu.memory_space<hbm>>
    tpu.wait_dma2 semaphore(%arg10 : memref<!tpu.dma_semaphore, #tpu.memory_space<semaphore_mem>>) src(%arg6 : memref<32768xf32, #tpu.memory_space<vmem>>) dst(%dma_wait3A_132 : memref<32768xf32, #tpu.memory_space<hbm>>)
    %add3A_133 = arith.constant 131072 : i32
    %add3A_134 = arith.addi %mul3A_2, %add3A_133 : i32
    %dma_start3A_135 = tpu.memref_slice %arg2[%add3A_134] : memref<16777216xf32, #tpu.memory_space<hbm>> -> memref<32768xf32, #tpu.memory_space<hbm>>
    %dma_start3A_136 = tpu.memref_slice %arg2[%add3A_134] : memref<16777216xf32, #tpu.memory_space<hbm>> -> memref<32768xf32, #tpu.memory_space<hbm>>
    tpu.enqueue_dma source(%dma_start3A_136 : memref<32768xf32, #tpu.memory_space<hbm>>) target(%arg6 : memref<32768xf32, #tpu.memory_space<vmem>>) target_semaphore(%arg8 : memref<!tpu.dma_semaphore, #tpu.memory_space<semaphore_mem>>)
    %add3A_137 = arith.constant 98304 : i32
    %add3A_138 = arith.addi %mul3A_2, %add3A_137 : i32
    %add3A_139 = arith.constant 0 : i32
    %add3A_140 = arith.addi %reduce_max3A_12, %add3A_139 : i32
    %sub3A_141 = arith.subi %add3A_140, %add3A_138 : i32
    %ge3A_142 = arith.constant 0 : i32
    %ge3A_143 = arith.cmpi sge, %sub3A_141, %ge3A_142 : i32
    %lt3A_144 = arith.constant 32768 : i32
    %lt3A_145 = arith.cmpi slt, %sub3A_141, %lt3A_144 : i32
    %and3A_146 = arith.andi %ge3A_143, %lt3A_145 : i1
    %convert_element_type3A_147 = arith.extui %and3A_146 : i1 to i32
    %cond3A_148 = arith.constant 0 : i32
    %cond3A_149 = arith.cmpi ne, %convert_element_type3A_147, %cond3A_148 : i32
    scf.if %cond3A_149 {
      %jit3A_645 = arith.constant 16 : i32
      %div3A = arith.divsi %sub3A_141, %jit3A_645 : i32
      %sign3A = arith.constant 0 : i32
      %sign3A_646 = arith.cmpi sgt, %sub3A_141, %sign3A : i32
      %sign3A_647 = arith.extui %sign3A_646 : i1 to i32
      %sign3A_648 = arith.constant 0 : i32
      %sign3A_649 = arith.cmpi slt, %sub3A_141, %sign3A_648 : i32
      %sign3A_650 = arith.extui %sign3A_649 : i1 to i32
      %sign3A_651 = arith.subi %sign3A_647, %sign3A_650 : i32
      %sign3A_652 = arith.constant 0 : i32
      %sign3A_653 = arith.cmpi sgt, %jit3A_645, %sign3A_652 : i32
      %sign3A_654 = arith.extui %sign3A_653 : i1 to i32
      %sign3A_655 = arith.constant 0 : i32
      %sign3A_656 = arith.cmpi slt, %jit3A_645, %sign3A_655 : i32
      %sign3A_657 = arith.extui %sign3A_656 : i1 to i32
      %sign3A_658 = arith.subi %sign3A_654, %sign3A_657 : i32
      %ne3A = arith.cmpi ne, %sign3A_651, %sign3A_658 : i32
      %rem3A = arith.remsi %sub3A_141, %jit3A_645 : i32
      %ne3A_659 = arith.constant 0 : i32
      %ne3A_660 = arith.cmpi ne, %rem3A, %ne3A_659 : i32
      %and3A_661 = arith.andi %ne3A, %ne3A_660 : i1
      %sub3A_662 = arith.constant 1 : i32
      %sub3A_663 = arith.subi %div3A, %sub3A_662 : i32
      %select_n3A_664 = arith.select %and3A_661, %sub3A_663, %div3A : i32
      %mul3A_665 = arith.constant 16 : i32
      %mul3A_666 = arith.muli %select_n3A_664, %mul3A_665 : i32
      %sub3A_667 = arith.subi %sub3A_141, %mul3A_666 : i32
      %get3A_668 = arith.index_cast %mul3A_666 : i32 to index
      %get3A_669 = tpu.vector_load %arg7[%get3A_668] {strides = array<i32>} : memref<32768xf32, #tpu.memory_space<vmem>>, vector<16xf32>,
      %eq3A_670 = vector.broadcast %sub3A_667 : i32 to vector<16xi32>
      %eq3A_671 = arith.cmpi eq, %iota3A, %eq3A_670 : vector<16xi32>
      %jit3A_672 = arith.constant 0.000000e+00 : f32
      %broadcast_in_dim3A_673 = vector.broadcast %jit3A_672 : f32 to vector<16xf32>
      %select_n3A_674 = arith.select %eq3A_671, %broadcast_in_dim3A_673, %get3A_669 : vector<16xi1>, vector<16xf32>
      %swap3A = arith.index_cast %mul3A_666 : i32 to index
      %swap3A_675 = tpu.vector_load %arg7[%swap3A] {strides = array<i32>} : memref<32768xf32, #tpu.memory_space<vmem>>, vector<16xf32>,
      tpu.vector_store %arg7[%swap3A], %select_n3A_674 {strides = array<i32>} : memref<32768xf32, #tpu.memory_space<vmem>>, vector<16xf32>,
    } else {
    }
    %add3A_150 = arith.constant 1 : i32
    %add3A_151 = arith.addi %reduce_max3A_12, %add3A_150 : i32
    %sub3A_152 = arith.subi %add3A_151, %add3A_138 : i32
    %ge3A_153 = arith.constant 0 : i32
    %ge3A_154 = arith.cmpi sge, %sub3A_152, %ge3A_153 : i32
    %lt3A_155 = arith.constant 32768 : i32
    %lt3A_156 = arith.cmpi slt, %sub3A_152, %lt3A_155 : i32
    %and3A_157 = arith.andi %ge3A_154, %lt3A_156 : i1
    %convert_element_type3A_158 = arith.extui %and3A_157 : i1 to i32
    %cond3A_159 = arith.constant 0 : i32
    %cond3A_160 = arith.cmpi ne, %convert_element_type3A_158, %cond3A_159 : i32
    scf.if %cond3A_160 {
      %jit3A_645 = arith.constant 16 : i32
      %div3A = arith.divsi %sub3A_152, %jit3A_645 : i32
      %sign3A = arith.constant 0 : i32
      %sign3A_646 = arith.cmpi sgt, %sub3A_152, %sign3A : i32
      %sign3A_647 = arith.extui %sign3A_646 : i1 to i32
      %sign3A_648 = arith.constant 0 : i32
      %sign3A_649 = arith.cmpi slt, %sub3A_152, %sign3A_648 : i32
      %sign3A_650 = arith.extui %sign3A_649 : i1 to i32
      %sign3A_651 = arith.subi %sign3A_647, %sign3A_650 : i32
      %sign3A_652 = arith.constant 0 : i32
      %sign3A_653 = arith.cmpi sgt, %jit3A_645, %sign3A_652 : i32
      %sign3A_654 = arith.extui %sign3A_653 : i1 to i32
      %sign3A_655 = arith.constant 0 : i32
      %sign3A_656 = arith.cmpi slt, %jit3A_645, %sign3A_655 : i32
      %sign3A_657 = arith.extui %sign3A_656 : i1 to i32
      %sign3A_658 = arith.subi %sign3A_654, %sign3A_657 : i32
      %ne3A = arith.cmpi ne, %sign3A_651, %sign3A_658 : i32
      %rem3A = arith.remsi %sub3A_152, %jit3A_645 : i32
      %ne3A_659 = arith.constant 0 : i32
      %ne3A_660 = arith.cmpi ne, %rem3A, %ne3A_659 : i32
      %and3A_661 = arith.andi %ne3A, %ne3A_660 : i1
      %sub3A_662 = arith.constant 1 : i32
      %sub3A_663 = arith.subi %div3A, %sub3A_662 : i32
      %select_n3A_664 = arith.select %and3A_661, %sub3A_663, %div3A : i32
      %mul3A_665 = arith.constant 16 : i32
      %mul3A_666 = arith.muli %select_n3A_664, %mul3A_665 : i32
      %sub3A_667 = arith.subi %sub3A_152, %mul3A_666 : i32
      %get3A_668 = arith.index_cast %mul3A_666 : i32 to index
      %get3A_669 = tpu.vector_load %arg7[%get3A_668] {strides = array<i32>} : memref<32768xf32, #tpu.memory_space<vmem>>, vector<16xf32>,
      %eq3A_670 = vector.broadcast %sub3A_667 : i32 to vector<16xi32>
      %eq3A_671 = arith.cmpi eq, %iota3A, %eq3A_670 : vector<16xi32>
      %jit3A_672 = arith.constant 0.000000e+00 : f32
      %broadcast_in_dim3A_673 = vector.broadcast %jit3A_672 : f32 to vector<16xf32>
      %select_n3A_674 = arith.select %eq3A_671, %broadcast_in_dim3A_673, %get3A_669 : vector<16xi1>, vector<16xf32>
      %swap3A = arith.index_cast %mul3A_666 : i32 to index
      %swap3A_675 = tpu.vector_load %arg7[%swap3A] {strides = array<i32>} : memref<32768xf32, #tpu.memory_space<vmem>>, vector<16xf32>,
      tpu.vector_store %arg7[%swap3A], %select_n3A_674 {strides = array<i32>} : memref<32768xf32, #tpu.memory_space<vmem>>, vector<16xf32>,
    } else {
    }
    %add3A_161 = arith.constant 98304 : i32
    %add3A_162 = arith.addi %mul3A_2, %add3A_161 : i32
    %dma_start3A_163 = tpu.memref_slice %arg4[%add3A_162] : memref<16777216xf32, #tpu.memory_space<hbm>> -> memref<32768xf32, #tpu.memory_space<hbm>>
    %dma_start3A_164 = tpu.memref_slice %arg4[%add3A_162] : memref<16777216xf32, #tpu.memory_space<hbm>> -> memref<32768xf32, #tpu.memory_space<hbm>>
    tpu.enqueue_dma source(%arg7 : memref<32768xf32, #tpu.memory_space<vmem>>) target(%dma_start3A_164 : memref<32768xf32, #tpu.memory_space<hbm>>) target_semaphore(%arg11 : memref<!tpu.dma_semaphore, #tpu.memory_space<semaphore_mem>>)
    %add3A_165 = arith.constant 131072 : i32
    %add3A_166 = arith.addi %mul3A_2, %add3A_165 : i32
    %dma_wait3A_167 = tpu.memref_slice %arg2[%add3A_166] : memref<16777216xf32, #tpu.memory_space<hbm>> -> memref<32768xf32, #tpu.memory_space<hbm>>
    %dma_wait3A_168 = tpu.memref_slice %arg2[%add3A_166] : memref<16777216xf32, #tpu.memory_space<hbm>> -> memref<32768xf32, #tpu.memory_space<hbm>>
    tpu.wait_dma2 semaphore(%arg8 : memref<!tpu.dma_semaphore, #tpu.memory_space<semaphore_mem>>) src(%dma_wait3A_168 : memref<32768xf32, #tpu.memory_space<hbm>>) dst(%arg6 : memref<32768xf32, #tpu.memory_space<vmem>>)
    %add3A_169 = arith.constant 98304 : i32
    %add3A_170 = arith.addi %mul3A_2, %add3A_169 : i32
    %dma_wait3A_171 = tpu.memref_slice %arg4[%add3A_170] : memref<16777216xf32, #tpu.memory_space<hbm>> -> memref<32768xf32, #tpu.memory_space<hbm>>
    %dma_wait3A_172 = tpu.memref_slice %arg4[%add3A_170] : memref<16777216xf32, #tpu.memory_space<hbm>> -> memref<32768xf32, #tpu.memory_space<hbm>>
    tpu.wait_dma2 semaphore(%arg11 : memref<!tpu.dma_semaphore, #tpu.memory_space<semaphore_mem>>) src(%arg7 : memref<32768xf32, #tpu.memory_space<vmem>>) dst(%dma_wait3A_172 : memref<32768xf32, #tpu.memory_space<hbm>>)
    %add3A_173 = arith.constant 163840 : i32
    %add3A_174 = arith.addi %mul3A_2, %add3A_173 : i32
    %dma_start3A_175 = tpu.memref_slice %arg2[%add3A_174] : memref<16777216xf32, #tpu.memory_space<hbm>> -> memref<32768xf32, #tpu.memory_space<hbm>>
    %dma_start3A_176 = tpu.memref_slice %arg2[%add3A_174] : memref<16777216xf32, #tpu.memory_space<hbm>> -> memref<32768xf32, #tpu.memory_space<hbm>>
    tpu.enqueue_dma source(%dma_start3A_176 : memref<32768xf32, #tpu.memory_space<hbm>>) target(%arg7 : memref<32768xf32, #tpu.memory_space<vmem>>) target_semaphore(%arg9 : memref<!tpu.dma_semaphore, #tpu.memory_space<semaphore_mem>>)
    %add3A_177 = arith.constant 131072 : i32
    %add3A_178 = arith.addi %mul3A_2, %add3A_177 : i32
    %add3A_179 = arith.constant 0 : i32
    %add3A_180 = arith.addi %reduce_max3A_12, %add3A_179 : i32
    %sub3A_181 = arith.subi %add3A_180, %add3A_178 : i32
    %ge3A_182 = arith.constant 0 : i32
    %ge3A_183 = arith.cmpi sge, %sub3A_181, %ge3A_182 : i32
    %lt3A_184 = arith.constant 32768 : i32
    %lt3A_185 = arith.cmpi slt, %sub3A_181, %lt3A_184 : i32
    %and3A_186 = arith.andi %ge3A_183, %lt3A_185 : i1
    %convert_element_type3A_187 = arith.extui %and3A_186 : i1 to i32
    %cond3A_188 = arith.constant 0 : i32
    %cond3A_189 = arith.cmpi ne, %convert_element_type3A_187, %cond3A_188 : i32
    scf.if %cond3A_189 {
      %jit3A_645 = arith.constant 16 : i32
      %div3A = arith.divsi %sub3A_181, %jit3A_645 : i32
      %sign3A = arith.constant 0 : i32
      %sign3A_646 = arith.cmpi sgt, %sub3A_181, %sign3A : i32
      %sign3A_647 = arith.extui %sign3A_646 : i1 to i32
      %sign3A_648 = arith.constant 0 : i32
      %sign3A_649 = arith.cmpi slt, %sub3A_181, %sign3A_648 : i32
      %sign3A_650 = arith.extui %sign3A_649 : i1 to i32
      %sign3A_651 = arith.subi %sign3A_647, %sign3A_650 : i32
      %sign3A_652 = arith.constant 0 : i32
      %sign3A_653 = arith.cmpi sgt, %jit3A_645, %sign3A_652 : i32
      %sign3A_654 = arith.extui %sign3A_653 : i1 to i32
      %sign3A_655 = arith.constant 0 : i32
      %sign3A_656 = arith.cmpi slt, %jit3A_645, %sign3A_655 : i32
      %sign3A_657 = arith.extui %sign3A_656 : i1 to i32
      %sign3A_658 = arith.subi %sign3A_654, %sign3A_657 : i32
      %ne3A = arith.cmpi ne, %sign3A_651, %sign3A_658 : i32
      %rem3A = arith.remsi %sub3A_181, %jit3A_645 : i32
      %ne3A_659 = arith.constant 0 : i32
      %ne3A_660 = arith.cmpi ne, %rem3A, %ne3A_659 : i32
      %and3A_661 = arith.andi %ne3A, %ne3A_660 : i1
      %sub3A_662 = arith.constant 1 : i32
      %sub3A_663 = arith.subi %div3A, %sub3A_662 : i32
      %select_n3A_664 = arith.select %and3A_661, %sub3A_663, %div3A : i32
      %mul3A_665 = arith.constant 16 : i32
      %mul3A_666 = arith.muli %select_n3A_664, %mul3A_665 : i32
      %sub3A_667 = arith.subi %sub3A_181, %mul3A_666 : i32
      %get3A_668 = arith.index_cast %mul3A_666 : i32 to index
      %get3A_669 = tpu.vector_load %arg6[%get3A_668] {strides = array<i32>} : memref<32768xf32, #tpu.memory_space<vmem>>, vector<16xf32>,
      %eq3A_670 = vector.broadcast %sub3A_667 : i32 to vector<16xi32>
      %eq3A_671 = arith.cmpi eq, %iota3A, %eq3A_670 : vector<16xi32>
      %jit3A_672 = arith.constant 0.000000e+00 : f32
      %broadcast_in_dim3A_673 = vector.broadcast %jit3A_672 : f32 to vector<16xf32>
      %select_n3A_674 = arith.select %eq3A_671, %broadcast_in_dim3A_673, %get3A_669 : vector<16xi1>, vector<16xf32>
      %swap3A = arith.index_cast %mul3A_666 : i32 to index
      %swap3A_675 = tpu.vector_load %arg6[%swap3A] {strides = array<i32>} : memref<32768xf32, #tpu.memory_space<vmem>>, vector<16xf32>,
      tpu.vector_store %arg6[%swap3A], %select_n3A_674 {strides = array<i32>} : memref<32768xf32, #tpu.memory_space<vmem>>, vector<16xf32>,
    } else {
    }
    %add3A_190 = arith.constant 1 : i32
    %add3A_191 = arith.addi %reduce_max3A_12, %add3A_190 : i32
    %sub3A_192 = arith.subi %add3A_191, %add3A_178 : i32
    %ge3A_193 = arith.constant 0 : i32
    %ge3A_194 = arith.cmpi sge, %sub3A_192, %ge3A_193 : i32
    %lt3A_195 = arith.constant 32768 : i32
    %lt3A_196 = arith.cmpi slt, %sub3A_192, %lt3A_195 : i32
    %and3A_197 = arith.andi %ge3A_194, %lt3A_196 : i1
    %convert_element_type3A_198 = arith.extui %and3A_197 : i1 to i32
    %cond3A_199 = arith.constant 0 : i32
    %cond3A_200 = arith.cmpi ne, %convert_element_type3A_198, %cond3A_199 : i32
    scf.if %cond3A_200 {
      %jit3A_645 = arith.constant 16 : i32
      %div3A = arith.divsi %sub3A_192, %jit3A_645 : i32
      %sign3A = arith.constant 0 : i32
      %sign3A_646 = arith.cmpi sgt, %sub3A_192, %sign3A : i32
      %sign3A_647 = arith.extui %sign3A_646 : i1 to i32
      %sign3A_648 = arith.constant 0 : i32
      %sign3A_649 = arith.cmpi slt, %sub3A_192, %sign3A_648 : i32
      %sign3A_650 = arith.extui %sign3A_649 : i1 to i32
      %sign3A_651 = arith.subi %sign3A_647, %sign3A_650 : i32
      %sign3A_652 = arith.constant 0 : i32
      %sign3A_653 = arith.cmpi sgt, %jit3A_645, %sign3A_652 : i32
      %sign3A_654 = arith.extui %sign3A_653 : i1 to i32
      %sign3A_655 = arith.constant 0 : i32
      %sign3A_656 = arith.cmpi slt, %jit3A_645, %sign3A_655 : i32
      %sign3A_657 = arith.extui %sign3A_656 : i1 to i32
      %sign3A_658 = arith.subi %sign3A_654, %sign3A_657 : i32
      %ne3A = arith.cmpi ne, %sign3A_651, %sign3A_658 : i32
      %rem3A = arith.remsi %sub3A_192, %jit3A_645 : i32
      %ne3A_659 = arith.constant 0 : i32
      %ne3A_660 = arith.cmpi ne, %rem3A, %ne3A_659 : i32
      %and3A_661 = arith.andi %ne3A, %ne3A_660 : i1
      %sub3A_662 = arith.constant 1 : i32
      %sub3A_663 = arith.subi %div3A, %sub3A_662 : i32
      %select_n3A_664 = arith.select %and3A_661, %sub3A_663, %div3A : i32
      %mul3A_665 = arith.constant 16 : i32
      %mul3A_666 = arith.muli %select_n3A_664, %mul3A_665 : i32
      %sub3A_667 = arith.subi %sub3A_192, %mul3A_666 : i32
      %get3A_668 = arith.index_cast %mul3A_666 : i32 to index
      %get3A_669 = tpu.vector_load %arg6[%get3A_668] {strides = array<i32>} : memref<32768xf32, #tpu.memory_space<vmem>>, vector<16xf32>,
      %eq3A_670 = vector.broadcast %sub3A_667 : i32 to vector<16xi32>
      %eq3A_671 = arith.cmpi eq, %iota3A, %eq3A_670 : vector<16xi32>
      %jit3A_672 = arith.constant 0.000000e+00 : f32
      %broadcast_in_dim3A_673 = vector.broadcast %jit3A_672 : f32 to vector<16xf32>
      %select_n3A_674 = arith.select %eq3A_671, %broadcast_in_dim3A_673, %get3A_669 : vector<16xi1>, vector<16xf32>
      %swap3A = arith.index_cast %mul3A_666 : i32 to index
      %swap3A_675 = tpu.vector_load %arg6[%swap3A] {strides = array<i32>} : memref<32768xf32, #tpu.memory_space<vmem>>, vector<16xf32>,
      tpu.vector_store %arg6[%swap3A], %select_n3A_674 {strides = array<i32>} : memref<32768xf32, #tpu.memory_space<vmem>>, vector<16xf32>,
    } else {
    }
    %add3A_201 = arith.constant 131072 : i32
    %add3A_202 = arith.addi %mul3A_2, %add3A_201 : i32
    %dma_start3A_203 = tpu.memref_slice %arg4[%add3A_202] : memref<16777216xf32, #tpu.memory_space<hbm>> -> memref<32768xf32, #tpu.memory_space<hbm>>
    %dma_start3A_204 = tpu.memref_slice %arg4[%add3A_202] : memref<16777216xf32, #tpu.memory_space<hbm>> -> memref<32768xf32, #tpu.memory_space<hbm>>
    tpu.enqueue_dma source(%arg6 : memref<32768xf32, #tpu.memory_space<vmem>>) target(%dma_start3A_204 : memref<32768xf32, #tpu.memory_space<hbm>>) target_semaphore(%arg10 : memref<!tpu.dma_semaphore, #tpu.memory_space<semaphore_mem>>)
    %add3A_205 = arith.constant 163840 : i32
    %add3A_206 = arith.addi %mul3A_2, %add3A_205 : i32
    %dma_wait3A_207 = tpu.memref_slice %arg2[%add3A_206] : memref<16777216xf32, #tpu.memory_space<hbm>> -> memref<32768xf32, #tpu.memory_space<hbm>>
    %dma_wait3A_208 = tpu.memref_slice %arg2[%add3A_206] : memref<16777216xf32, #tpu.memory_space<hbm>> -> memref<32768xf32, #tpu.memory_space<hbm>>
    tpu.wait_dma2 semaphore(%arg9 : memref<!tpu.dma_semaphore, #tpu.memory_space<semaphore_mem>>) src(%dma_wait3A_208 : memref<32768xf32, #tpu.memory_space<hbm>>) dst(%arg7 : memref<32768xf32, #tpu.memory_space<vmem>>)
    %add3A_209 = arith.constant 131072 : i32
    %add3A_210 = arith.addi %mul3A_2, %add3A_209 : i32
    %dma_wait3A_211 = tpu.memref_slice %arg4[%add3A_210] : memref<16777216xf32, #tpu.memory_space<hbm>> -> memref<32768xf32, #tpu.memory_space<hbm>>
    %dma_wait3A_212 = tpu.memref_slice %arg4[%add3A_210] : memref<16777216xf32, #tpu.memory_space<hbm>> -> memref<32768xf32, #tpu.memory_space<hbm>>
    tpu.wait_dma2 semaphore(%arg10 : memref<!tpu.dma_semaphore, #tpu.memory_space<semaphore_mem>>) src(%arg6 : memref<32768xf32, #tpu.memory_space<vmem>>) dst(%dma_wait3A_212 : memref<32768xf32, #tpu.memory_space<hbm>>)
    %add3A_213 = arith.constant 196608 : i32
    %add3A_214 = arith.addi %mul3A_2, %add3A_213 : i32
    %dma_start3A_215 = tpu.memref_slice %arg2[%add3A_214] : memref<16777216xf32, #tpu.memory_space<hbm>> -> memref<32768xf32, #tpu.memory_space<hbm>>
    %dma_start3A_216 = tpu.memref_slice %arg2[%add3A_214] : memref<16777216xf32, #tpu.memory_space<hbm>> -> memref<32768xf32, #tpu.memory_space<hbm>>
    tpu.enqueue_dma source(%dma_start3A_216 : memref<32768xf32, #tpu.memory_space<hbm>>) target(%arg6 : memref<32768xf32, #tpu.memory_space<vmem>>) target_semaphore(%arg8 : memref<!tpu.dma_semaphore, #tpu.memory_space<semaphore_mem>>)
    %add3A_217 = arith.constant 163840 : i32
    %add3A_218 = arith.addi %mul3A_2, %add3A_217 : i32
    %add3A_219 = arith.constant 0 : i32
    %add3A_220 = arith.addi %reduce_max3A_12, %add3A_219 : i32
    %sub3A_221 = arith.subi %add3A_220, %add3A_218 : i32
    %ge3A_222 = arith.constant 0 : i32
    %ge3A_223 = arith.cmpi sge, %sub3A_221, %ge3A_222 : i32
    %lt3A_224 = arith.constant 32768 : i32
    %lt3A_225 = arith.cmpi slt, %sub3A_221, %lt3A_224 : i32
    %and3A_226 = arith.andi %ge3A_223, %lt3A_225 : i1
    %convert_element_type3A_227 = arith.extui %and3A_226 : i1 to i32
    %cond3A_228 = arith.constant 0 : i32
    %cond3A_229 = arith.cmpi ne, %convert_element_type3A_227, %cond3A_228 : i32
    scf.if %cond3A_229 {
      %jit3A_645 = arith.constant 16 : i32
      %div3A = arith.divsi %sub3A_221, %jit3A_645 : i32
      %sign3A = arith.constant 0 : i32
      %sign3A_646 = arith.cmpi sgt, %sub3A_221, %sign3A : i32
      %sign3A_647 = arith.extui %sign3A_646 : i1 to i32
      %sign3A_648 = arith.constant 0 : i32
      %sign3A_649 = arith.cmpi slt, %sub3A_221, %sign3A_648 : i32
      %sign3A_650 = arith.extui %sign3A_649 : i1 to i32
      %sign3A_651 = arith.subi %sign3A_647, %sign3A_650 : i32
      %sign3A_652 = arith.constant 0 : i32
      %sign3A_653 = arith.cmpi sgt, %jit3A_645, %sign3A_652 : i32
      %sign3A_654 = arith.extui %sign3A_653 : i1 to i32
      %sign3A_655 = arith.constant 0 : i32
      %sign3A_656 = arith.cmpi slt, %jit3A_645, %sign3A_655 : i32
      %sign3A_657 = arith.extui %sign3A_656 : i1 to i32
      %sign3A_658 = arith.subi %sign3A_654, %sign3A_657 : i32
      %ne3A = arith.cmpi ne, %sign3A_651, %sign3A_658 : i32
      %rem3A = arith.remsi %sub3A_221, %jit3A_645 : i32
      %ne3A_659 = arith.constant 0 : i32
      %ne3A_660 = arith.cmpi ne, %rem3A, %ne3A_659 : i32
      %and3A_661 = arith.andi %ne3A, %ne3A_660 : i1
      %sub3A_662 = arith.constant 1 : i32
      %sub3A_663 = arith.subi %div3A, %sub3A_662 : i32
      %select_n3A_664 = arith.select %and3A_661, %sub3A_663, %div3A : i32
      %mul3A_665 = arith.constant 16 : i32
      %mul3A_666 = arith.muli %select_n3A_664, %mul3A_665 : i32
      %sub3A_667 = arith.subi %sub3A_221, %mul3A_666 : i32
      %get3A_668 = arith.index_cast %mul3A_666 : i32 to index
      %get3A_669 = tpu.vector_load %arg7[%get3A_668] {strides = array<i32>} : memref<32768xf32, #tpu.memory_space<vmem>>, vector<16xf32>,
      %eq3A_670 = vector.broadcast %sub3A_667 : i32 to vector<16xi32>
      %eq3A_671 = arith.cmpi eq, %iota3A, %eq3A_670 : vector<16xi32>
      %jit3A_672 = arith.constant 0.000000e+00 : f32
      %broadcast_in_dim3A_673 = vector.broadcast %jit3A_672 : f32 to vector<16xf32>
      %select_n3A_674 = arith.select %eq3A_671, %broadcast_in_dim3A_673, %get3A_669 : vector<16xi1>, vector<16xf32>
      %swap3A = arith.index_cast %mul3A_666 : i32 to index
      %swap3A_675 = tpu.vector_load %arg7[%swap3A] {strides = array<i32>} : memref<32768xf32, #tpu.memory_space<vmem>>, vector<16xf32>,
      tpu.vector_store %arg7[%swap3A], %select_n3A_674 {strides = array<i32>} : memref<32768xf32, #tpu.memory_space<vmem>>, vector<16xf32>,
    } else {
    }
    %add3A_230 = arith.constant 1 : i32
    %add3A_231 = arith.addi %reduce_max3A_12, %add3A_230 : i32
    %sub3A_232 = arith.subi %add3A_231, %add3A_218 : i32
    %ge3A_233 = arith.constant 0 : i32
    %ge3A_234 = arith.cmpi sge, %sub3A_232, %ge3A_233 : i32
    %lt3A_235 = arith.constant 32768 : i32
    %lt3A_236 = arith.cmpi slt, %sub3A_232, %lt3A_235 : i32
    %and3A_237 = arith.andi %ge3A_234, %lt3A_236 : i1
    %convert_element_type3A_238 = arith.extui %and3A_237 : i1 to i32
    %cond3A_239 = arith.constant 0 : i32
    %cond3A_240 = arith.cmpi ne, %convert_element_type3A_238, %cond3A_239 : i32
    scf.if %cond3A_240 {
      %jit3A_645 = arith.constant 16 : i32
      %div3A = arith.divsi %sub3A_232, %jit3A_645 : i32
      %sign3A = arith.constant 0 : i32
      %sign3A_646 = arith.cmpi sgt, %sub3A_232, %sign3A : i32
      %sign3A_647 = arith.extui %sign3A_646 : i1 to i32
      %sign3A_648 = arith.constant 0 : i32
      %sign3A_649 = arith.cmpi slt, %sub3A_232, %sign3A_648 : i32
      %sign3A_650 = arith.extui %sign3A_649 : i1 to i32
      %sign3A_651 = arith.subi %sign3A_647, %sign3A_650 : i32
      %sign3A_652 = arith.constant 0 : i32
      %sign3A_653 = arith.cmpi sgt, %jit3A_645, %sign3A_652 : i32
      %sign3A_654 = arith.extui %sign3A_653 : i1 to i32
      %sign3A_655 = arith.constant 0 : i32
      %sign3A_656 = arith.cmpi slt, %jit3A_645, %sign3A_655 : i32
      %sign3A_657 = arith.extui %sign3A_656 : i1 to i32
      %sign3A_658 = arith.subi %sign3A_654, %sign3A_657 : i32
      %ne3A = arith.cmpi ne, %sign3A_651, %sign3A_658 : i32
      %rem3A = arith.remsi %sub3A_232, %jit3A_645 : i32
      %ne3A_659 = arith.constant 0 : i32
      %ne3A_660 = arith.cmpi ne, %rem3A, %ne3A_659 : i32
      %and3A_661 = arith.andi %ne3A, %ne3A_660 : i1
      %sub3A_662 = arith.constant 1 : i32
      %sub3A_663 = arith.subi %div3A, %sub3A_662 : i32
      %select_n3A_664 = arith.select %and3A_661, %sub3A_663, %div3A : i32
      %mul3A_665 = arith.constant 16 : i32
      %mul3A_666 = arith.muli %select_n3A_664, %mul3A_665 : i32
      %sub3A_667 = arith.subi %sub3A_232, %mul3A_666 : i32
      %get3A_668 = arith.index_cast %mul3A_666 : i32 to index
      %get3A_669 = tpu.vector_load %arg7[%get3A_668] {strides = array<i32>} : memref<32768xf32, #tpu.memory_space<vmem>>, vector<16xf32>,
      %eq3A_670 = vector.broadcast %sub3A_667 : i32 to vector<16xi32>
      %eq3A_671 = arith.cmpi eq, %iota3A, %eq3A_670 : vector<16xi32>
      %jit3A_672 = arith.constant 0.000000e+00 : f32
      %broadcast_in_dim3A_673 = vector.broadcast %jit3A_672 : f32 to vector<16xf32>
      %select_n3A_674 = arith.select %eq3A_671, %broadcast_in_dim3A_673, %get3A_669 : vector<16xi1>, vector<16xf32>
      %swap3A = arith.index_cast %mul3A_666 : i32 to index
      %swap3A_675 = tpu.vector_load %arg7[%swap3A] {strides = array<i32>} : memref<32768xf32, #tpu.memory_space<vmem>>, vector<16xf32>,
      tpu.vector_store %arg7[%swap3A], %select_n3A_674 {strides = array<i32>} : memref<32768xf32, #tpu.memory_space<vmem>>, vector<16xf32>,
    } else {
    }
    %add3A_241 = arith.constant 163840 : i32
    %add3A_242 = arith.addi %mul3A_2, %add3A_241 : i32
    %dma_start3A_243 = tpu.memref_slice %arg4[%add3A_242] : memref<16777216xf32, #tpu.memory_space<hbm>> -> memref<32768xf32, #tpu.memory_space<hbm>>
    %dma_start3A_244 = tpu.memref_slice %arg4[%add3A_242] : memref<16777216xf32, #tpu.memory_space<hbm>> -> memref<32768xf32, #tpu.memory_space<hbm>>
    tpu.enqueue_dma source(%arg7 : memref<32768xf32, #tpu.memory_space<vmem>>) target(%dma_start3A_244 : memref<32768xf32, #tpu.memory_space<hbm>>) target_semaphore(%arg11 : memref<!tpu.dma_semaphore, #tpu.memory_space<semaphore_mem>>)
    %add3A_245 = arith.constant 196608 : i32
    %add3A_246 = arith.addi %mul3A_2, %add3A_245 : i32
    %dma_wait3A_247 = tpu.memref_slice %arg2[%add3A_246] : memref<16777216xf32, #tpu.memory_space<hbm>> -> memref<32768xf32, #tpu.memory_space<hbm>>
    %dma_wait3A_248 = tpu.memref_slice %arg2[%add3A_246] : memref<16777216xf32, #tpu.memory_space<hbm>> -> memref<32768xf32, #tpu.memory_space<hbm>>
    tpu.wait_dma2 semaphore(%arg8 : memref<!tpu.dma_semaphore, #tpu.memory_space<semaphore_mem>>) src(%dma_wait3A_248 : memref<32768xf32, #tpu.memory_space<hbm>>) dst(%arg6 : memref<32768xf32, #tpu.memory_space<vmem>>)
    %add3A_249 = arith.constant 163840 : i32
    %add3A_250 = arith.addi %mul3A_2, %add3A_249 : i32
    %dma_wait3A_251 = tpu.memref_slice %arg4[%add3A_250] : memref<16777216xf32, #tpu.memory_space<hbm>> -> memref<32768xf32, #tpu.memory_space<hbm>>
    %dma_wait3A_252 = tpu.memref_slice %arg4[%add3A_250] : memref<16777216xf32, #tpu.memory_space<hbm>> -> memref<32768xf32, #tpu.memory_space<hbm>>
    tpu.wait_dma2 semaphore(%arg11 : memref<!tpu.dma_semaphore, #tpu.memory_space<semaphore_mem>>) src(%arg7 : memref<32768xf32, #tpu.memory_space<vmem>>) dst(%dma_wait3A_252 : memref<32768xf32, #tpu.memory_space<hbm>>)
    %add3A_253 = arith.constant 229376 : i32
    %add3A_254 = arith.addi %mul3A_2, %add3A_253 : i32
    %dma_start3A_255 = tpu.memref_slice %arg2[%add3A_254] : memref<16777216xf32, #tpu.memory_space<hbm>> -> memref<32768xf32, #tpu.memory_space<hbm>>
    %dma_start3A_256 = tpu.memref_slice %arg2[%add3A_254] : memref<16777216xf32, #tpu.memory_space<hbm>> -> memref<32768xf32, #tpu.memory_space<hbm>>
    tpu.enqueue_dma source(%dma_start3A_256 : memref<32768xf32, #tpu.memory_space<hbm>>) target(%arg7 : memref<32768xf32, #tpu.memory_space<vmem>>) target_semaphore(%arg9 : memref<!tpu.dma_semaphore, #tpu.memory_space<semaphore_mem>>)
    %add3A_257 = arith.constant 196608 : i32
    %add3A_258 = arith.addi %mul3A_2, %add3A_257 : i32
    %add3A_259 = arith.constant 0 : i32
    %add3A_260 = arith.addi %reduce_max3A_12, %add3A_259 : i32
    %sub3A_261 = arith.subi %add3A_260, %add3A_258 : i32
    %ge3A_262 = arith.constant 0 : i32
    %ge3A_263 = arith.cmpi sge, %sub3A_261, %ge3A_262 : i32
    %lt3A_264 = arith.constant 32768 : i32
    %lt3A_265 = arith.cmpi slt, %sub3A_261, %lt3A_264 : i32
    %and3A_266 = arith.andi %ge3A_263, %lt3A_265 : i1
    %convert_element_type3A_267 = arith.extui %and3A_266 : i1 to i32
    %cond3A_268 = arith.constant 0 : i32
    %cond3A_269 = arith.cmpi ne, %convert_element_type3A_267, %cond3A_268 : i32
    scf.if %cond3A_269 {
      %jit3A_645 = arith.constant 16 : i32
      %div3A = arith.divsi %sub3A_261, %jit3A_645 : i32
      %sign3A = arith.constant 0 : i32
      %sign3A_646 = arith.cmpi sgt, %sub3A_261, %sign3A : i32
      %sign3A_647 = arith.extui %sign3A_646 : i1 to i32
      %sign3A_648 = arith.constant 0 : i32
      %sign3A_649 = arith.cmpi slt, %sub3A_261, %sign3A_648 : i32
      %sign3A_650 = arith.extui %sign3A_649 : i1 to i32
      %sign3A_651 = arith.subi %sign3A_647, %sign3A_650 : i32
      %sign3A_652 = arith.constant 0 : i32
      %sign3A_653 = arith.cmpi sgt, %jit3A_645, %sign3A_652 : i32
      %sign3A_654 = arith.extui %sign3A_653 : i1 to i32
      %sign3A_655 = arith.constant 0 : i32
      %sign3A_656 = arith.cmpi slt, %jit3A_645, %sign3A_655 : i32
      %sign3A_657 = arith.extui %sign3A_656 : i1 to i32
      %sign3A_658 = arith.subi %sign3A_654, %sign3A_657 : i32
      %ne3A = arith.cmpi ne, %sign3A_651, %sign3A_658 : i32
      %rem3A = arith.remsi %sub3A_261, %jit3A_645 : i32
      %ne3A_659 = arith.constant 0 : i32
      %ne3A_660 = arith.cmpi ne, %rem3A, %ne3A_659 : i32
      %and3A_661 = arith.andi %ne3A, %ne3A_660 : i1
      %sub3A_662 = arith.constant 1 : i32
      %sub3A_663 = arith.subi %div3A, %sub3A_662 : i32
      %select_n3A_664 = arith.select %and3A_661, %sub3A_663, %div3A : i32
      %mul3A_665 = arith.constant 16 : i32
      %mul3A_666 = arith.muli %select_n3A_664, %mul3A_665 : i32
      %sub3A_667 = arith.subi %sub3A_261, %mul3A_666 : i32
      %get3A_668 = arith.index_cast %mul3A_666 : i32 to index
      %get3A_669 = tpu.vector_load %arg6[%get3A_668] {strides = array<i32>} : memref<32768xf32, #tpu.memory_space<vmem>>, vector<16xf32>,
      %eq3A_670 = vector.broadcast %sub3A_667 : i32 to vector<16xi32>
      %eq3A_671 = arith.cmpi eq, %iota3A, %eq3A_670 : vector<16xi32>
      %jit3A_672 = arith.constant 0.000000e+00 : f32
      %broadcast_in_dim3A_673 = vector.broadcast %jit3A_672 : f32 to vector<16xf32>
      %select_n3A_674 = arith.select %eq3A_671, %broadcast_in_dim3A_673, %get3A_669 : vector<16xi1>, vector<16xf32>
      %swap3A = arith.index_cast %mul3A_666 : i32 to index
      %swap3A_675 = tpu.vector_load %arg6[%swap3A] {strides = array<i32>} : memref<32768xf32, #tpu.memory_space<vmem>>, vector<16xf32>,
      tpu.vector_store %arg6[%swap3A], %select_n3A_674 {strides = array<i32>} : memref<32768xf32, #tpu.memory_space<vmem>>, vector<16xf32>,
    } else {
    }
    %add3A_270 = arith.constant 1 : i32
    %add3A_271 = arith.addi %reduce_max3A_12, %add3A_270 : i32
    %sub3A_272 = arith.subi %add3A_271, %add3A_258 : i32
    %ge3A_273 = arith.constant 0 : i32
    %ge3A_274 = arith.cmpi sge, %sub3A_272, %ge3A_273 : i32
    %lt3A_275 = arith.constant 32768 : i32
    %lt3A_276 = arith.cmpi slt, %sub3A_272, %lt3A_275 : i32
    %and3A_277 = arith.andi %ge3A_274, %lt3A_276 : i1
    %convert_element_type3A_278 = arith.extui %and3A_277 : i1 to i32
    %cond3A_279 = arith.constant 0 : i32
    %cond3A_280 = arith.cmpi ne, %convert_element_type3A_278, %cond3A_279 : i32
    scf.if %cond3A_280 {
      %jit3A_645 = arith.constant 16 : i32
      %div3A = arith.divsi %sub3A_272, %jit3A_645 : i32
      %sign3A = arith.constant 0 : i32
      %sign3A_646 = arith.cmpi sgt, %sub3A_272, %sign3A : i32
      %sign3A_647 = arith.extui %sign3A_646 : i1 to i32
      %sign3A_648 = arith.constant 0 : i32
      %sign3A_649 = arith.cmpi slt, %sub3A_272, %sign3A_648 : i32
      %sign3A_650 = arith.extui %sign3A_649 : i1 to i32
      %sign3A_651 = arith.subi %sign3A_647, %sign3A_650 : i32
      %sign3A_652 = arith.constant 0 : i32
      %sign3A_653 = arith.cmpi sgt, %jit3A_645, %sign3A_652 : i32
      %sign3A_654 = arith.extui %sign3A_653 : i1 to i32
      %sign3A_655 = arith.constant 0 : i32
      %sign3A_656 = arith.cmpi slt, %jit3A_645, %sign3A_655 : i32
      %sign3A_657 = arith.extui %sign3A_656 : i1 to i32
      %sign3A_658 = arith.subi %sign3A_654, %sign3A_657 : i32
      %ne3A = arith.cmpi ne, %sign3A_651, %sign3A_658 : i32
      %rem3A = arith.remsi %sub3A_272, %jit3A_645 : i32
      %ne3A_659 = arith.constant 0 : i32
      %ne3A_660 = arith.cmpi ne, %rem3A, %ne3A_659 : i32
      %and3A_661 = arith.andi %ne3A, %ne3A_660 : i1
      %sub3A_662 = arith.constant 1 : i32
      %sub3A_663 = arith.subi %div3A, %sub3A_662 : i32
      %select_n3A_664 = arith.select %and3A_661, %sub3A_663, %div3A : i32
      %mul3A_665 = arith.constant 16 : i32
      %mul3A_666 = arith.muli %select_n3A_664, %mul3A_665 : i32
      %sub3A_667 = arith.subi %sub3A_272, %mul3A_666 : i32
      %get3A_668 = arith.index_cast %mul3A_666 : i32 to index
      %get3A_669 = tpu.vector_load %arg6[%get3A_668] {strides = array<i32>} : memref<32768xf32, #tpu.memory_space<vmem>>, vector<16xf32>,
      %eq3A_670 = vector.broadcast %sub3A_667 : i32 to vector<16xi32>
      %eq3A_671 = arith.cmpi eq, %iota3A, %eq3A_670 : vector<16xi32>
      %jit3A_672 = arith.constant 0.000000e+00 : f32
      %broadcast_in_dim3A_673 = vector.broadcast %jit3A_672 : f32 to vector<16xf32>
      %select_n3A_674 = arith.select %eq3A_671, %broadcast_in_dim3A_673, %get3A_669 : vector<16xi1>, vector<16xf32>
      %swap3A = arith.index_cast %mul3A_666 : i32 to index
      %swap3A_675 = tpu.vector_load %arg6[%swap3A] {strides = array<i32>} : memref<32768xf32, #tpu.memory_space<vmem>>, vector<16xf32>,
      tpu.vector_store %arg6[%swap3A], %select_n3A_674 {strides = array<i32>} : memref<32768xf32, #tpu.memory_space<vmem>>, vector<16xf32>,
    } else {
    }
    %add3A_281 = arith.constant 196608 : i32
    %add3A_282 = arith.addi %mul3A_2, %add3A_281 : i32
    %dma_start3A_283 = tpu.memref_slice %arg4[%add3A_282] : memref<16777216xf32, #tpu.memory_space<hbm>> -> memref<32768xf32, #tpu.memory_space<hbm>>
    %dma_start3A_284 = tpu.memref_slice %arg4[%add3A_282] : memref<16777216xf32, #tpu.memory_space<hbm>> -> memref<32768xf32, #tpu.memory_space<hbm>>
    tpu.enqueue_dma source(%arg6 : memref<32768xf32, #tpu.memory_space<vmem>>) target(%dma_start3A_284 : memref<32768xf32, #tpu.memory_space<hbm>>) target_semaphore(%arg10 : memref<!tpu.dma_semaphore, #tpu.memory_space<semaphore_mem>>)
    %add3A_285 = arith.constant 229376 : i32
    %add3A_286 = arith.addi %mul3A_2, %add3A_285 : i32
    %dma_wait3A_287 = tpu.memref_slice %arg2[%add3A_286] : memref<16777216xf32, #tpu.memory_space<hbm>> -> memref<32768xf32, #tpu.memory_space<hbm>>
    %dma_wait3A_288 = tpu.memref_slice %arg2[%add3A_286] : memref<16777216xf32, #tpu.memory_space<hbm>> -> memref<32768xf32, #tpu.memory_space<hbm>>
    tpu.wait_dma2 semaphore(%arg9 : memref<!tpu.dma_semaphore, #tpu.memory_space<semaphore_mem>>) src(%dma_wait3A_288 : memref<32768xf32, #tpu.memory_space<hbm>>) dst(%arg7 : memref<32768xf32, #tpu.memory_space<vmem>>)
    %add3A_289 = arith.constant 196608 : i32
    %add3A_290 = arith.addi %mul3A_2, %add3A_289 : i32
    %dma_wait3A_291 = tpu.memref_slice %arg4[%add3A_290] : memref<16777216xf32, #tpu.memory_space<hbm>> -> memref<32768xf32, #tpu.memory_space<hbm>>
    %dma_wait3A_292 = tpu.memref_slice %arg4[%add3A_290] : memref<16777216xf32, #tpu.memory_space<hbm>> -> memref<32768xf32, #tpu.memory_space<hbm>>
    tpu.wait_dma2 semaphore(%arg10 : memref<!tpu.dma_semaphore, #tpu.memory_space<semaphore_mem>>) src(%arg6 : memref<32768xf32, #tpu.memory_space<vmem>>) dst(%dma_wait3A_292 : memref<32768xf32, #tpu.memory_space<hbm>>)
    %add3A_293 = arith.constant 262144 : i32
    %add3A_294 = arith.addi %mul3A_2, %add3A_293 : i32
    %dma_start3A_295 = tpu.memref_slice %arg2[%add3A_294] : memref<16777216xf32, #tpu.memory_space<hbm>> -> memref<32768xf32, #tpu.memory_space<hbm>>
    %dma_start3A_296 = tpu.memref_slice %arg2[%add3A_294] : memref<16777216xf32, #tpu.memory_space<hbm>> -> memref<32768xf32, #tpu.memory_space<hbm>>
    tpu.enqueue_dma source(%dma_start3A_296 : memref<32768xf32, #tpu.memory_space<hbm>>) target(%arg6 : memref<32768xf32, #tpu.memory_space<vmem>>) target_semaphore(%arg8 : memref<!tpu.dma_semaphore, #tpu.memory_space<semaphore_mem>>)
    %add3A_297 = arith.constant 229376 : i32
    %add3A_298 = arith.addi %mul3A_2, %add3A_297 : i32
    %add3A_299 = arith.constant 0 : i32
    %add3A_300 = arith.addi %reduce_max3A_12, %add3A_299 : i32
    %sub3A_301 = arith.subi %add3A_300, %add3A_298 : i32
    %ge3A_302 = arith.constant 0 : i32
    %ge3A_303 = arith.cmpi sge, %sub3A_301, %ge3A_302 : i32
    %lt3A_304 = arith.constant 32768 : i32
    %lt3A_305 = arith.cmpi slt, %sub3A_301, %lt3A_304 : i32
    %and3A_306 = arith.andi %ge3A_303, %lt3A_305 : i1
    %convert_element_type3A_307 = arith.extui %and3A_306 : i1 to i32
    %cond3A_308 = arith.constant 0 : i32
    %cond3A_309 = arith.cmpi ne, %convert_element_type3A_307, %cond3A_308 : i32
    scf.if %cond3A_309 {
      %jit3A_645 = arith.constant 16 : i32
      %div3A = arith.divsi %sub3A_301, %jit3A_645 : i32
      %sign3A = arith.constant 0 : i32
      %sign3A_646 = arith.cmpi sgt, %sub3A_301, %sign3A : i32
      %sign3A_647 = arith.extui %sign3A_646 : i1 to i32
      %sign3A_648 = arith.constant 0 : i32
      %sign3A_649 = arith.cmpi slt, %sub3A_301, %sign3A_648 : i32
      %sign3A_650 = arith.extui %sign3A_649 : i1 to i32
      %sign3A_651 = arith.subi %sign3A_647, %sign3A_650 : i32
      %sign3A_652 = arith.constant 0 : i32
      %sign3A_653 = arith.cmpi sgt, %jit3A_645, %sign3A_652 : i32
      %sign3A_654 = arith.extui %sign3A_653 : i1 to i32
      %sign3A_655 = arith.constant 0 : i32
      %sign3A_656 = arith.cmpi slt, %jit3A_645, %sign3A_655 : i32
      %sign3A_657 = arith.extui %sign3A_656 : i1 to i32
      %sign3A_658 = arith.subi %sign3A_654, %sign3A_657 : i32
      %ne3A = arith.cmpi ne, %sign3A_651, %sign3A_658 : i32
      %rem3A = arith.remsi %sub3A_301, %jit3A_645 : i32
      %ne3A_659 = arith.constant 0 : i32
      %ne3A_660 = arith.cmpi ne, %rem3A, %ne3A_659 : i32
      %and3A_661 = arith.andi %ne3A, %ne3A_660 : i1
      %sub3A_662 = arith.constant 1 : i32
      %sub3A_663 = arith.subi %div3A, %sub3A_662 : i32
      %select_n3A_664 = arith.select %and3A_661, %sub3A_663, %div3A : i32
      %mul3A_665 = arith.constant 16 : i32
      %mul3A_666 = arith.muli %select_n3A_664, %mul3A_665 : i32
      %sub3A_667 = arith.subi %sub3A_301, %mul3A_666 : i32
      %get3A_668 = arith.index_cast %mul3A_666 : i32 to index
      %get3A_669 = tpu.vector_load %arg7[%get3A_668] {strides = array<i32>} : memref<32768xf32, #tpu.memory_space<vmem>>, vector<16xf32>,
      %eq3A_670 = vector.broadcast %sub3A_667 : i32 to vector<16xi32>
      %eq3A_671 = arith.cmpi eq, %iota3A, %eq3A_670 : vector<16xi32>
      %jit3A_672 = arith.constant 0.000000e+00 : f32
      %broadcast_in_dim3A_673 = vector.broadcast %jit3A_672 : f32 to vector<16xf32>
      %select_n3A_674 = arith.select %eq3A_671, %broadcast_in_dim3A_673, %get3A_669 : vector<16xi1>, vector<16xf32>
      %swap3A = arith.index_cast %mul3A_666 : i32 to index
      %swap3A_675 = tpu.vector_load %arg7[%swap3A] {strides = array<i32>} : memref<32768xf32, #tpu.memory_space<vmem>>, vector<16xf32>,
      tpu.vector_store %arg7[%swap3A], %select_n3A_674 {strides = array<i32>} : memref<32768xf32, #tpu.memory_space<vmem>>, vector<16xf32>,
    } else {
    }
    %add3A_310 = arith.constant 1 : i32
    %add3A_311 = arith.addi %reduce_max3A_12, %add3A_310 : i32
    %sub3A_312 = arith.subi %add3A_311, %add3A_298 : i32
    %ge3A_313 = arith.constant 0 : i32
    %ge3A_314 = arith.cmpi sge, %sub3A_312, %ge3A_313 : i32
    %lt3A_315 = arith.constant 32768 : i32
    %lt3A_316 = arith.cmpi slt, %sub3A_312, %lt3A_315 : i32
    %and3A_317 = arith.andi %ge3A_314, %lt3A_316 : i1
    %convert_element_type3A_318 = arith.extui %and3A_317 : i1 to i32
    %cond3A_319 = arith.constant 0 : i32
    %cond3A_320 = arith.cmpi ne, %convert_element_type3A_318, %cond3A_319 : i32
    scf.if %cond3A_320 {
      %jit3A_645 = arith.constant 16 : i32
      %div3A = arith.divsi %sub3A_312, %jit3A_645 : i32
      %sign3A = arith.constant 0 : i32
      %sign3A_646 = arith.cmpi sgt, %sub3A_312, %sign3A : i32
      %sign3A_647 = arith.extui %sign3A_646 : i1 to i32
      %sign3A_648 = arith.constant 0 : i32
      %sign3A_649 = arith.cmpi slt, %sub3A_312, %sign3A_648 : i32
      %sign3A_650 = arith.extui %sign3A_649 : i1 to i32
      %sign3A_651 = arith.subi %sign3A_647, %sign3A_650 : i32
      %sign3A_652 = arith.constant 0 : i32
      %sign3A_653 = arith.cmpi sgt, %jit3A_645, %sign3A_652 : i32
      %sign3A_654 = arith.extui %sign3A_653 : i1 to i32
      %sign3A_655 = arith.constant 0 : i32
      %sign3A_656 = arith.cmpi slt, %jit3A_645, %sign3A_655 : i32
      %sign3A_657 = arith.extui %sign3A_656 : i1 to i32
      %sign3A_658 = arith.subi %sign3A_654, %sign3A_657 : i32
      %ne3A = arith.cmpi ne, %sign3A_651, %sign3A_658 : i32
      %rem3A = arith.remsi %sub3A_312, %jit3A_645 : i32
      %ne3A_659 = arith.constant 0 : i32
      %ne3A_660 = arith.cmpi ne, %rem3A, %ne3A_659 : i32
      %and3A_661 = arith.andi %ne3A, %ne3A_660 : i1
      %sub3A_662 = arith.constant 1 : i32
      %sub3A_663 = arith.subi %div3A, %sub3A_662 : i32
      %select_n3A_664 = arith.select %and3A_661, %sub3A_663, %div3A : i32
      %mul3A_665 = arith.constant 16 : i32
      %mul3A_666 = arith.muli %select_n3A_664, %mul3A_665 : i32
      %sub3A_667 = arith.subi %sub3A_312, %mul3A_666 : i32
      %get3A_668 = arith.index_cast %mul3A_666 : i32 to index
      %get3A_669 = tpu.vector_load %arg7[%get3A_668] {strides = array<i32>} : memref<32768xf32, #tpu.memory_space<vmem>>, vector<16xf32>,
      %eq3A_670 = vector.broadcast %sub3A_667 : i32 to vector<16xi32>
      %eq3A_671 = arith.cmpi eq, %iota3A, %eq3A_670 : vector<16xi32>
      %jit3A_672 = arith.constant 0.000000e+00 : f32
      %broadcast_in_dim3A_673 = vector.broadcast %jit3A_672 : f32 to vector<16xf32>
      %select_n3A_674 = arith.select %eq3A_671, %broadcast_in_dim3A_673, %get3A_669 : vector<16xi1>, vector<16xf32>
      %swap3A = arith.index_cast %mul3A_666 : i32 to index
      %swap3A_675 = tpu.vector_load %arg7[%swap3A] {strides = array<i32>} : memref<32768xf32, #tpu.memory_space<vmem>>, vector<16xf32>,
      tpu.vector_store %arg7[%swap3A], %select_n3A_674 {strides = array<i32>} : memref<32768xf32, #tpu.memory_space<vmem>>, vector<16xf32>,
    } else {
    }
    %add3A_321 = arith.constant 229376 : i32
    %add3A_322 = arith.addi %mul3A_2, %add3A_321 : i32
    %dma_start3A_323 = tpu.memref_slice %arg4[%add3A_322] : memref<16777216xf32, #tpu.memory_space<hbm>> -> memref<32768xf32, #tpu.memory_space<hbm>>
    %dma_start3A_324 = tpu.memref_slice %arg4[%add3A_322] : memref<16777216xf32, #tpu.memory_space<hbm>> -> memref<32768xf32, #tpu.memory_space<hbm>>
    tpu.enqueue_dma source(%arg7 : memref<32768xf32, #tpu.memory_space<vmem>>) target(%dma_start3A_324 : memref<32768xf32, #tpu.memory_space<hbm>>) target_semaphore(%arg11 : memref<!tpu.dma_semaphore, #tpu.memory_space<semaphore_mem>>)
    %add3A_325 = arith.constant 262144 : i32
    %add3A_326 = arith.addi %mul3A_2, %add3A_325 : i32
    %dma_wait3A_327 = tpu.memref_slice %arg2[%add3A_326] : memref<16777216xf32, #tpu.memory_space<hbm>> -> memref<32768xf32, #tpu.memory_space<hbm>>
    %dma_wait3A_328 = tpu.memref_slice %arg2[%add3A_326] : memref<16777216xf32, #tpu.memory_space<hbm>> -> memref<32768xf32, #tpu.memory_space<hbm>>
    tpu.wait_dma2 semaphore(%arg8 : memref<!tpu.dma_semaphore, #tpu.memory_space<semaphore_mem>>) src(%dma_wait3A_328 : memref<32768xf32, #tpu.memory_space<hbm>>) dst(%arg6 : memref<32768xf32, #tpu.memory_space<vmem>>)
    %add3A_329 = arith.constant 229376 : i32
    %add3A_330 = arith.addi %mul3A_2, %add3A_329 : i32
    %dma_wait3A_331 = tpu.memref_slice %arg4[%add3A_330] : memref<16777216xf32, #tpu.memory_space<hbm>> -> memref<32768xf32, #tpu.memory_space<hbm>>
    %dma_wait3A_332 = tpu.memref_slice %arg4[%add3A_330] : memref<16777216xf32, #tpu.memory_space<hbm>> -> memref<32768xf32, #tpu.memory_space<hbm>>
    tpu.wait_dma2 semaphore(%arg11 : memref<!tpu.dma_semaphore, #tpu.memory_space<semaphore_mem>>) src(%arg7 : memref<32768xf32, #tpu.memory_space<vmem>>) dst(%dma_wait3A_332 : memref<32768xf32, #tpu.memory_space<hbm>>)
    %add3A_333 = arith.constant 294912 : i32
    %add3A_334 = arith.addi %mul3A_2, %add3A_333 : i32
    %dma_start3A_335 = tpu.memref_slice %arg2[%add3A_334] : memref<16777216xf32, #tpu.memory_space<hbm>> -> memref<32768xf32, #tpu.memory_space<hbm>>
    %dma_start3A_336 = tpu.memref_slice %arg2[%add3A_334] : memref<16777216xf32, #tpu.memory_space<hbm>> -> memref<32768xf32, #tpu.memory_space<hbm>>
    tpu.enqueue_dma source(%dma_start3A_336 : memref<32768xf32, #tpu.memory_space<hbm>>) target(%arg7 : memref<32768xf32, #tpu.memory_space<vmem>>) target_semaphore(%arg9 : memref<!tpu.dma_semaphore, #tpu.memory_space<semaphore_mem>>)
    %add3A_337 = arith.constant 262144 : i32
    %add3A_338 = arith.addi %mul3A_2, %add3A_337 : i32
    %add3A_339 = arith.constant 0 : i32
    %add3A_340 = arith.addi %reduce_max3A_12, %add3A_339 : i32
    %sub3A_341 = arith.subi %add3A_340, %add3A_338 : i32
    %ge3A_342 = arith.constant 0 : i32
    %ge3A_343 = arith.cmpi sge, %sub3A_341, %ge3A_342 : i32
    %lt3A_344 = arith.constant 32768 : i32
    %lt3A_345 = arith.cmpi slt, %sub3A_341, %lt3A_344 : i32
    %and3A_346 = arith.andi %ge3A_343, %lt3A_345 : i1
    %convert_element_type3A_347 = arith.extui %and3A_346 : i1 to i32
    %cond3A_348 = arith.constant 0 : i32
    %cond3A_349 = arith.cmpi ne, %convert_element_type3A_347, %cond3A_348 : i32
    scf.if %cond3A_349 {
      %jit3A_645 = arith.constant 16 : i32
      %div3A = arith.divsi %sub3A_341, %jit3A_645 : i32
      %sign3A = arith.constant 0 : i32
      %sign3A_646 = arith.cmpi sgt, %sub3A_341, %sign3A : i32
      %sign3A_647 = arith.extui %sign3A_646 : i1 to i32
      %sign3A_648 = arith.constant 0 : i32
      %sign3A_649 = arith.cmpi slt, %sub3A_341, %sign3A_648 : i32
      %sign3A_650 = arith.extui %sign3A_649 : i1 to i32
      %sign3A_651 = arith.subi %sign3A_647, %sign3A_650 : i32
      %sign3A_652 = arith.constant 0 : i32
      %sign3A_653 = arith.cmpi sgt, %jit3A_645, %sign3A_652 : i32
      %sign3A_654 = arith.extui %sign3A_653 : i1 to i32
      %sign3A_655 = arith.constant 0 : i32
      %sign3A_656 = arith.cmpi slt, %jit3A_645, %sign3A_655 : i32
      %sign3A_657 = arith.extui %sign3A_656 : i1 to i32
      %sign3A_658 = arith.subi %sign3A_654, %sign3A_657 : i32
      %ne3A = arith.cmpi ne, %sign3A_651, %sign3A_658 : i32
      %rem3A = arith.remsi %sub3A_341, %jit3A_645 : i32
      %ne3A_659 = arith.constant 0 : i32
      %ne3A_660 = arith.cmpi ne, %rem3A, %ne3A_659 : i32
      %and3A_661 = arith.andi %ne3A, %ne3A_660 : i1
      %sub3A_662 = arith.constant 1 : i32
      %sub3A_663 = arith.subi %div3A, %sub3A_662 : i32
      %select_n3A_664 = arith.select %and3A_661, %sub3A_663, %div3A : i32
      %mul3A_665 = arith.constant 16 : i32
      %mul3A_666 = arith.muli %select_n3A_664, %mul3A_665 : i32
      %sub3A_667 = arith.subi %sub3A_341, %mul3A_666 : i32
      %get3A_668 = arith.index_cast %mul3A_666 : i32 to index
      %get3A_669 = tpu.vector_load %arg6[%get3A_668] {strides = array<i32>} : memref<32768xf32, #tpu.memory_space<vmem>>, vector<16xf32>,
      %eq3A_670 = vector.broadcast %sub3A_667 : i32 to vector<16xi32>
      %eq3A_671 = arith.cmpi eq, %iota3A, %eq3A_670 : vector<16xi32>
      %jit3A_672 = arith.constant 0.000000e+00 : f32
      %broadcast_in_dim3A_673 = vector.broadcast %jit3A_672 : f32 to vector<16xf32>
      %select_n3A_674 = arith.select %eq3A_671, %broadcast_in_dim3A_673, %get3A_669 : vector<16xi1>, vector<16xf32>
      %swap3A = arith.index_cast %mul3A_666 : i32 to index
      %swap3A_675 = tpu.vector_load %arg6[%swap3A] {strides = array<i32>} : memref<32768xf32, #tpu.memory_space<vmem>>, vector<16xf32>,
      tpu.vector_store %arg6[%swap3A], %select_n3A_674 {strides = array<i32>} : memref<32768xf32, #tpu.memory_space<vmem>>, vector<16xf32>,
    } else {
    }
    %add3A_350 = arith.constant 1 : i32
    %add3A_351 = arith.addi %reduce_max3A_12, %add3A_350 : i32
    %sub3A_352 = arith.subi %add3A_351, %add3A_338 : i32
    %ge3A_353 = arith.constant 0 : i32
    %ge3A_354 = arith.cmpi sge, %sub3A_352, %ge3A_353 : i32
    %lt3A_355 = arith.constant 32768 : i32
    %lt3A_356 = arith.cmpi slt, %sub3A_352, %lt3A_355 : i32
    %and3A_357 = arith.andi %ge3A_354, %lt3A_356 : i1
    %convert_element_type3A_358 = arith.extui %and3A_357 : i1 to i32
    %cond3A_359 = arith.constant 0 : i32
    %cond3A_360 = arith.cmpi ne, %convert_element_type3A_358, %cond3A_359 : i32
    scf.if %cond3A_360 {
      %jit3A_645 = arith.constant 16 : i32
      %div3A = arith.divsi %sub3A_352, %jit3A_645 : i32
      %sign3A = arith.constant 0 : i32
      %sign3A_646 = arith.cmpi sgt, %sub3A_352, %sign3A : i32
      %sign3A_647 = arith.extui %sign3A_646 : i1 to i32
      %sign3A_648 = arith.constant 0 : i32
      %sign3A_649 = arith.cmpi slt, %sub3A_352, %sign3A_648 : i32
      %sign3A_650 = arith.extui %sign3A_649 : i1 to i32
      %sign3A_651 = arith.subi %sign3A_647, %sign3A_650 : i32
      %sign3A_652 = arith.constant 0 : i32
      %sign3A_653 = arith.cmpi sgt, %jit3A_645, %sign3A_652 : i32
      %sign3A_654 = arith.extui %sign3A_653 : i1 to i32
      %sign3A_655 = arith.constant 0 : i32
      %sign3A_656 = arith.cmpi slt, %jit3A_645, %sign3A_655 : i32
      %sign3A_657 = arith.extui %sign3A_656 : i1 to i32
      %sign3A_658 = arith.subi %sign3A_654, %sign3A_657 : i32
      %ne3A = arith.cmpi ne, %sign3A_651, %sign3A_658 : i32
      %rem3A = arith.remsi %sub3A_352, %jit3A_645 : i32
      %ne3A_659 = arith.constant 0 : i32
      %ne3A_660 = arith.cmpi ne, %rem3A, %ne3A_659 : i32
      %and3A_661 = arith.andi %ne3A, %ne3A_660 : i1
      %sub3A_662 = arith.constant 1 : i32
      %sub3A_663 = arith.subi %div3A, %sub3A_662 : i32
      %select_n3A_664 = arith.select %and3A_661, %sub3A_663, %div3A : i32
      %mul3A_665 = arith.constant 16 : i32
      %mul3A_666 = arith.muli %select_n3A_664, %mul3A_665 : i32
      %sub3A_667 = arith.subi %sub3A_352, %mul3A_666 : i32
      %get3A_668 = arith.index_cast %mul3A_666 : i32 to index
      %get3A_669 = tpu.vector_load %arg6[%get3A_668] {strides = array<i32>} : memref<32768xf32, #tpu.memory_space<vmem>>, vector<16xf32>,
      %eq3A_670 = vector.broadcast %sub3A_667 : i32 to vector<16xi32>
      %eq3A_671 = arith.cmpi eq, %iota3A, %eq3A_670 : vector<16xi32>
      %jit3A_672 = arith.constant 0.000000e+00 : f32
      %broadcast_in_dim3A_673 = vector.broadcast %jit3A_672 : f32 to vector<16xf32>
      %select_n3A_674 = arith.select %eq3A_671, %broadcast_in_dim3A_673, %get3A_669 : vector<16xi1>, vector<16xf32>
      %swap3A = arith.index_cast %mul3A_666 : i32 to index
      %swap3A_675 = tpu.vector_load %arg6[%swap3A] {strides = array<i32>} : memref<32768xf32, #tpu.memory_space<vmem>>, vector<16xf32>,
      tpu.vector_store %arg6[%swap3A], %select_n3A_674 {strides = array<i32>} : memref<32768xf32, #tpu.memory_space<vmem>>, vector<16xf32>,
    } else {
    }
    %add3A_361 = arith.constant 262144 : i32
    %add3A_362 = arith.addi %mul3A_2, %add3A_361 : i32
    %dma_start3A_363 = tpu.memref_slice %arg4[%add3A_362] : memref<16777216xf32, #tpu.memory_space<hbm>> -> memref<32768xf32, #tpu.memory_space<hbm>>
    %dma_start3A_364 = tpu.memref_slice %arg4[%add3A_362] : memref<16777216xf32, #tpu.memory_space<hbm>> -> memref<32768xf32, #tpu.memory_space<hbm>>
    tpu.enqueue_dma source(%arg6 : memref<32768xf32, #tpu.memory_space<vmem>>) target(%dma_start3A_364 : memref<32768xf32, #tpu.memory_space<hbm>>) target_semaphore(%arg10 : memref<!tpu.dma_semaphore, #tpu.memory_space<semaphore_mem>>)
    %add3A_365 = arith.constant 294912 : i32
    %add3A_366 = arith.addi %mul3A_2, %add3A_365 : i32
    %dma_wait3A_367 = tpu.memref_slice %arg2[%add3A_366] : memref<16777216xf32, #tpu.memory_space<hbm>> -> memref<32768xf32, #tpu.memory_space<hbm>>
    %dma_wait3A_368 = tpu.memref_slice %arg2[%add3A_366] : memref<16777216xf32, #tpu.memory_space<hbm>> -> memref<32768xf32, #tpu.memory_space<hbm>>
    tpu.wait_dma2 semaphore(%arg9 : memref<!tpu.dma_semaphore, #tpu.memory_space<semaphore_mem>>) src(%dma_wait3A_368 : memref<32768xf32, #tpu.memory_space<hbm>>) dst(%arg7 : memref<32768xf32, #tpu.memory_space<vmem>>)
    %add3A_369 = arith.constant 262144 : i32
    %add3A_370 = arith.addi %mul3A_2, %add3A_369 : i32
    %dma_wait3A_371 = tpu.memref_slice %arg4[%add3A_370] : memref<16777216xf32, #tpu.memory_space<hbm>> -> memref<32768xf32, #tpu.memory_space<hbm>>
    %dma_wait3A_372 = tpu.memref_slice %arg4[%add3A_370] : memref<16777216xf32, #tpu.memory_space<hbm>> -> memref<32768xf32, #tpu.memory_space<hbm>>
    tpu.wait_dma2 semaphore(%arg10 : memref<!tpu.dma_semaphore, #tpu.memory_space<semaphore_mem>>) src(%arg6 : memref<32768xf32, #tpu.memory_space<vmem>>) dst(%dma_wait3A_372 : memref<32768xf32, #tpu.memory_space<hbm>>)
    %add3A_373 = arith.constant 327680 : i32
    %add3A_374 = arith.addi %mul3A_2, %add3A_373 : i32
    %dma_start3A_375 = tpu.memref_slice %arg2[%add3A_374] : memref<16777216xf32, #tpu.memory_space<hbm>> -> memref<32768xf32, #tpu.memory_space<hbm>>
    %dma_start3A_376 = tpu.memref_slice %arg2[%add3A_374] : memref<16777216xf32, #tpu.memory_space<hbm>> -> memref<32768xf32, #tpu.memory_space<hbm>>
    tpu.enqueue_dma source(%dma_start3A_376 : memref<32768xf32, #tpu.memory_space<hbm>>) target(%arg6 : memref<32768xf32, #tpu.memory_space<vmem>>) target_semaphore(%arg8 : memref<!tpu.dma_semaphore, #tpu.memory_space<semaphore_mem>>)
    %add3A_377 = arith.constant 294912 : i32
    %add3A_378 = arith.addi %mul3A_2, %add3A_377 : i32
    %add3A_379 = arith.constant 0 : i32
    %add3A_380 = arith.addi %reduce_max3A_12, %add3A_379 : i32
    %sub3A_381 = arith.subi %add3A_380, %add3A_378 : i32
    %ge3A_382 = arith.constant 0 : i32
    %ge3A_383 = arith.cmpi sge, %sub3A_381, %ge3A_382 : i32
    %lt3A_384 = arith.constant 32768 : i32
    %lt3A_385 = arith.cmpi slt, %sub3A_381, %lt3A_384 : i32
    %and3A_386 = arith.andi %ge3A_383, %lt3A_385 : i1
    %convert_element_type3A_387 = arith.extui %and3A_386 : i1 to i32
    %cond3A_388 = arith.constant 0 : i32
    %cond3A_389 = arith.cmpi ne, %convert_element_type3A_387, %cond3A_388 : i32
    scf.if %cond3A_389 {
      %jit3A_645 = arith.constant 16 : i32
      %div3A = arith.divsi %sub3A_381, %jit3A_645 : i32
      %sign3A = arith.constant 0 : i32
      %sign3A_646 = arith.cmpi sgt, %sub3A_381, %sign3A : i32
      %sign3A_647 = arith.extui %sign3A_646 : i1 to i32
      %sign3A_648 = arith.constant 0 : i32
      %sign3A_649 = arith.cmpi slt, %sub3A_381, %sign3A_648 : i32
      %sign3A_650 = arith.extui %sign3A_649 : i1 to i32
      %sign3A_651 = arith.subi %sign3A_647, %sign3A_650 : i32
      %sign3A_652 = arith.constant 0 : i32
      %sign3A_653 = arith.cmpi sgt, %jit3A_645, %sign3A_652 : i32
      %sign3A_654 = arith.extui %sign3A_653 : i1 to i32
      %sign3A_655 = arith.constant 0 : i32
      %sign3A_656 = arith.cmpi slt, %jit3A_645, %sign3A_655 : i32
      %sign3A_657 = arith.extui %sign3A_656 : i1 to i32
      %sign3A_658 = arith.subi %sign3A_654, %sign3A_657 : i32
      %ne3A = arith.cmpi ne, %sign3A_651, %sign3A_658 : i32
      %rem3A = arith.remsi %sub3A_381, %jit3A_645 : i32
      %ne3A_659 = arith.constant 0 : i32
      %ne3A_660 = arith.cmpi ne, %rem3A, %ne3A_659 : i32
      %and3A_661 = arith.andi %ne3A, %ne3A_660 : i1
      %sub3A_662 = arith.constant 1 : i32
      %sub3A_663 = arith.subi %div3A, %sub3A_662 : i32
      %select_n3A_664 = arith.select %and3A_661, %sub3A_663, %div3A : i32
      %mul3A_665 = arith.constant 16 : i32
      %mul3A_666 = arith.muli %select_n3A_664, %mul3A_665 : i32
      %sub3A_667 = arith.subi %sub3A_381, %mul3A_666 : i32
      %get3A_668 = arith.index_cast %mul3A_666 : i32 to index
      %get3A_669 = tpu.vector_load %arg7[%get3A_668] {strides = array<i32>} : memref<32768xf32, #tpu.memory_space<vmem>>, vector<16xf32>,
      %eq3A_670 = vector.broadcast %sub3A_667 : i32 to vector<16xi32>
      %eq3A_671 = arith.cmpi eq, %iota3A, %eq3A_670 : vector<16xi32>
      %jit3A_672 = arith.constant 0.000000e+00 : f32
      %broadcast_in_dim3A_673 = vector.broadcast %jit3A_672 : f32 to vector<16xf32>
      %select_n3A_674 = arith.select %eq3A_671, %broadcast_in_dim3A_673, %get3A_669 : vector<16xi1>, vector<16xf32>
      %swap3A = arith.index_cast %mul3A_666 : i32 to index
      %swap3A_675 = tpu.vector_load %arg7[%swap3A] {strides = array<i32>} : memref<32768xf32, #tpu.memory_space<vmem>>, vector<16xf32>,
      tpu.vector_store %arg7[%swap3A], %select_n3A_674 {strides = array<i32>} : memref<32768xf32, #tpu.memory_space<vmem>>, vector<16xf32>,
    } else {
    }
    %add3A_390 = arith.constant 1 : i32
    %add3A_391 = arith.addi %reduce_max3A_12, %add3A_390 : i32
    %sub3A_392 = arith.subi %add3A_391, %add3A_378 : i32
    %ge3A_393 = arith.constant 0 : i32
    %ge3A_394 = arith.cmpi sge, %sub3A_392, %ge3A_393 : i32
    %lt3A_395 = arith.constant 32768 : i32
    %lt3A_396 = arith.cmpi slt, %sub3A_392, %lt3A_395 : i32
    %and3A_397 = arith.andi %ge3A_394, %lt3A_396 : i1
    %convert_element_type3A_398 = arith.extui %and3A_397 : i1 to i32
    %cond3A_399 = arith.constant 0 : i32
    %cond3A_400 = arith.cmpi ne, %convert_element_type3A_398, %cond3A_399 : i32
    scf.if %cond3A_400 {
      %jit3A_645 = arith.constant 16 : i32
      %div3A = arith.divsi %sub3A_392, %jit3A_645 : i32
      %sign3A = arith.constant 0 : i32
      %sign3A_646 = arith.cmpi sgt, %sub3A_392, %sign3A : i32
      %sign3A_647 = arith.extui %sign3A_646 : i1 to i32
      %sign3A_648 = arith.constant 0 : i32
      %sign3A_649 = arith.cmpi slt, %sub3A_392, %sign3A_648 : i32
      %sign3A_650 = arith.extui %sign3A_649 : i1 to i32
      %sign3A_651 = arith.subi %sign3A_647, %sign3A_650 : i32
      %sign3A_652 = arith.constant 0 : i32
      %sign3A_653 = arith.cmpi sgt, %jit3A_645, %sign3A_652 : i32
      %sign3A_654 = arith.extui %sign3A_653 : i1 to i32
      %sign3A_655 = arith.constant 0 : i32
      %sign3A_656 = arith.cmpi slt, %jit3A_645, %sign3A_655 : i32
      %sign3A_657 = arith.extui %sign3A_656 : i1 to i32
      %sign3A_658 = arith.subi %sign3A_654, %sign3A_657 : i32
      %ne3A = arith.cmpi ne, %sign3A_651, %sign3A_658 : i32
      %rem3A = arith.remsi %sub3A_392, %jit3A_645 : i32
      %ne3A_659 = arith.constant 0 : i32
      %ne3A_660 = arith.cmpi ne, %rem3A, %ne3A_659 : i32
      %and3A_661 = arith.andi %ne3A, %ne3A_660 : i1
      %sub3A_662 = arith.constant 1 : i32
      %sub3A_663 = arith.subi %div3A, %sub3A_662 : i32
      %select_n3A_664 = arith.select %and3A_661, %sub3A_663, %div3A : i32
      %mul3A_665 = arith.constant 16 : i32
      %mul3A_666 = arith.muli %select_n3A_664, %mul3A_665 : i32
      %sub3A_667 = arith.subi %sub3A_392, %mul3A_666 : i32
      %get3A_668 = arith.index_cast %mul3A_666 : i32 to index
      %get3A_669 = tpu.vector_load %arg7[%get3A_668] {strides = array<i32>} : memref<32768xf32, #tpu.memory_space<vmem>>, vector<16xf32>,
      %eq3A_670 = vector.broadcast %sub3A_667 : i32 to vector<16xi32>
      %eq3A_671 = arith.cmpi eq, %iota3A, %eq3A_670 : vector<16xi32>
      %jit3A_672 = arith.constant 0.000000e+00 : f32
      %broadcast_in_dim3A_673 = vector.broadcast %jit3A_672 : f32 to vector<16xf32>
      %select_n3A_674 = arith.select %eq3A_671, %broadcast_in_dim3A_673, %get3A_669 : vector<16xi1>, vector<16xf32>
      %swap3A = arith.index_cast %mul3A_666 : i32 to index
      %swap3A_675 = tpu.vector_load %arg7[%swap3A] {strides = array<i32>} : memref<32768xf32, #tpu.memory_space<vmem>>, vector<16xf32>,
      tpu.vector_store %arg7[%swap3A], %select_n3A_674 {strides = array<i32>} : memref<32768xf32, #tpu.memory_space<vmem>>, vector<16xf32>,
    } else {
    }
    %add3A_401 = arith.constant 294912 : i32
    %add3A_402 = arith.addi %mul3A_2, %add3A_401 : i32
    %dma_start3A_403 = tpu.memref_slice %arg4[%add3A_402] : memref<16777216xf32, #tpu.memory_space<hbm>> -> memref<32768xf32, #tpu.memory_space<hbm>>
    %dma_start3A_404 = tpu.memref_slice %arg4[%add3A_402] : memref<16777216xf32, #tpu.memory_space<hbm>> -> memref<32768xf32, #tpu.memory_space<hbm>>
    tpu.enqueue_dma source(%arg7 : memref<32768xf32, #tpu.memory_space<vmem>>) target(%dma_start3A_404 : memref<32768xf32, #tpu.memory_space<hbm>>) target_semaphore(%arg11 : memref<!tpu.dma_semaphore, #tpu.memory_space<semaphore_mem>>)
    %add3A_405 = arith.constant 327680 : i32
    %add3A_406 = arith.addi %mul3A_2, %add3A_405 : i32
    %dma_wait3A_407 = tpu.memref_slice %arg2[%add3A_406] : memref<16777216xf32, #tpu.memory_space<hbm>> -> memref<32768xf32, #tpu.memory_space<hbm>>
    %dma_wait3A_408 = tpu.memref_slice %arg2[%add3A_406] : memref<16777216xf32, #tpu.memory_space<hbm>> -> memref<32768xf32, #tpu.memory_space<hbm>>
    tpu.wait_dma2 semaphore(%arg8 : memref<!tpu.dma_semaphore, #tpu.memory_space<semaphore_mem>>) src(%dma_wait3A_408 : memref<32768xf32, #tpu.memory_space<hbm>>) dst(%arg6 : memref<32768xf32, #tpu.memory_space<vmem>>)
    %add3A_409 = arith.constant 294912 : i32
    %add3A_410 = arith.addi %mul3A_2, %add3A_409 : i32
    %dma_wait3A_411 = tpu.memref_slice %arg4[%add3A_410] : memref<16777216xf32, #tpu.memory_space<hbm>> -> memref<32768xf32, #tpu.memory_space<hbm>>
    %dma_wait3A_412 = tpu.memref_slice %arg4[%add3A_410] : memref<16777216xf32, #tpu.memory_space<hbm>> -> memref<32768xf32, #tpu.memory_space<hbm>>
    tpu.wait_dma2 semaphore(%arg11 : memref<!tpu.dma_semaphore, #tpu.memory_space<semaphore_mem>>) src(%arg7 : memref<32768xf32, #tpu.memory_space<vmem>>) dst(%dma_wait3A_412 : memref<32768xf32, #tpu.memory_space<hbm>>)
    %add3A_413 = arith.constant 360448 : i32
    %add3A_414 = arith.addi %mul3A_2, %add3A_413 : i32
    %dma_start3A_415 = tpu.memref_slice %arg2[%add3A_414] : memref<16777216xf32, #tpu.memory_space<hbm>> -> memref<32768xf32, #tpu.memory_space<hbm>>
    %dma_start3A_416 = tpu.memref_slice %arg2[%add3A_414] : memref<16777216xf32, #tpu.memory_space<hbm>> -> memref<32768xf32, #tpu.memory_space<hbm>>
    tpu.enqueue_dma source(%dma_start3A_416 : memref<32768xf32, #tpu.memory_space<hbm>>) target(%arg7 : memref<32768xf32, #tpu.memory_space<vmem>>) target_semaphore(%arg9 : memref<!tpu.dma_semaphore, #tpu.memory_space<semaphore_mem>>)
    %add3A_417 = arith.constant 327680 : i32
    %add3A_418 = arith.addi %mul3A_2, %add3A_417 : i32
    %add3A_419 = arith.constant 0 : i32
    %add3A_420 = arith.addi %reduce_max3A_12, %add3A_419 : i32
    %sub3A_421 = arith.subi %add3A_420, %add3A_418 : i32
    %ge3A_422 = arith.constant 0 : i32
    %ge3A_423 = arith.cmpi sge, %sub3A_421, %ge3A_422 : i32
    %lt3A_424 = arith.constant 32768 : i32
    %lt3A_425 = arith.cmpi slt, %sub3A_421, %lt3A_424 : i32
    %and3A_426 = arith.andi %ge3A_423, %lt3A_425 : i1
    %convert_element_type3A_427 = arith.extui %and3A_426 : i1 to i32
    %cond3A_428 = arith.constant 0 : i32
    %cond3A_429 = arith.cmpi ne, %convert_element_type3A_427, %cond3A_428 : i32
    scf.if %cond3A_429 {
      %jit3A_645 = arith.constant 16 : i32
      %div3A = arith.divsi %sub3A_421, %jit3A_645 : i32
      %sign3A = arith.constant 0 : i32
      %sign3A_646 = arith.cmpi sgt, %sub3A_421, %sign3A : i32
      %sign3A_647 = arith.extui %sign3A_646 : i1 to i32
      %sign3A_648 = arith.constant 0 : i32
      %sign3A_649 = arith.cmpi slt, %sub3A_421, %sign3A_648 : i32
      %sign3A_650 = arith.extui %sign3A_649 : i1 to i32
      %sign3A_651 = arith.subi %sign3A_647, %sign3A_650 : i32
      %sign3A_652 = arith.constant 0 : i32
      %sign3A_653 = arith.cmpi sgt, %jit3A_645, %sign3A_652 : i32
      %sign3A_654 = arith.extui %sign3A_653 : i1 to i32
      %sign3A_655 = arith.constant 0 : i32
      %sign3A_656 = arith.cmpi slt, %jit3A_645, %sign3A_655 : i32
      %sign3A_657 = arith.extui %sign3A_656 : i1 to i32
      %sign3A_658 = arith.subi %sign3A_654, %sign3A_657 : i32
      %ne3A = arith.cmpi ne, %sign3A_651, %sign3A_658 : i32
      %rem3A = arith.remsi %sub3A_421, %jit3A_645 : i32
      %ne3A_659 = arith.constant 0 : i32
      %ne3A_660 = arith.cmpi ne, %rem3A, %ne3A_659 : i32
      %and3A_661 = arith.andi %ne3A, %ne3A_660 : i1
      %sub3A_662 = arith.constant 1 : i32
      %sub3A_663 = arith.subi %div3A, %sub3A_662 : i32
      %select_n3A_664 = arith.select %and3A_661, %sub3A_663, %div3A : i32
      %mul3A_665 = arith.constant 16 : i32
      %mul3A_666 = arith.muli %select_n3A_664, %mul3A_665 : i32
      %sub3A_667 = arith.subi %sub3A_421, %mul3A_666 : i32
      %get3A_668 = arith.index_cast %mul3A_666 : i32 to index
      %get3A_669 = tpu.vector_load %arg6[%get3A_668] {strides = array<i32>} : memref<32768xf32, #tpu.memory_space<vmem>>, vector<16xf32>,
      %eq3A_670 = vector.broadcast %sub3A_667 : i32 to vector<16xi32>
      %eq3A_671 = arith.cmpi eq, %iota3A, %eq3A_670 : vector<16xi32>
      %jit3A_672 = arith.constant 0.000000e+00 : f32
      %broadcast_in_dim3A_673 = vector.broadcast %jit3A_672 : f32 to vector<16xf32>
      %select_n3A_674 = arith.select %eq3A_671, %broadcast_in_dim3A_673, %get3A_669 : vector<16xi1>, vector<16xf32>
      %swap3A = arith.index_cast %mul3A_666 : i32 to index
      %swap3A_675 = tpu.vector_load %arg6[%swap3A] {strides = array<i32>} : memref<32768xf32, #tpu.memory_space<vmem>>, vector<16xf32>,
      tpu.vector_store %arg6[%swap3A], %select_n3A_674 {strides = array<i32>} : memref<32768xf32, #tpu.memory_space<vmem>>, vector<16xf32>,
    } else {
    }
    %add3A_430 = arith.constant 1 : i32
    %add3A_431 = arith.addi %reduce_max3A_12, %add3A_430 : i32
    %sub3A_432 = arith.subi %add3A_431, %add3A_418 : i32
    %ge3A_433 = arith.constant 0 : i32
    %ge3A_434 = arith.cmpi sge, %sub3A_432, %ge3A_433 : i32
    %lt3A_435 = arith.constant 32768 : i32
    %lt3A_436 = arith.cmpi slt, %sub3A_432, %lt3A_435 : i32
    %and3A_437 = arith.andi %ge3A_434, %lt3A_436 : i1
    %convert_element_type3A_438 = arith.extui %and3A_437 : i1 to i32
    %cond3A_439 = arith.constant 0 : i32
    %cond3A_440 = arith.cmpi ne, %convert_element_type3A_438, %cond3A_439 : i32
    scf.if %cond3A_440 {
      %jit3A_645 = arith.constant 16 : i32
      %div3A = arith.divsi %sub3A_432, %jit3A_645 : i32
      %sign3A = arith.constant 0 : i32
      %sign3A_646 = arith.cmpi sgt, %sub3A_432, %sign3A : i32
      %sign3A_647 = arith.extui %sign3A_646 : i1 to i32
      %sign3A_648 = arith.constant 0 : i32
      %sign3A_649 = arith.cmpi slt, %sub3A_432, %sign3A_648 : i32
      %sign3A_650 = arith.extui %sign3A_649 : i1 to i32
      %sign3A_651 = arith.subi %sign3A_647, %sign3A_650 : i32
      %sign3A_652 = arith.constant 0 : i32
      %sign3A_653 = arith.cmpi sgt, %jit3A_645, %sign3A_652 : i32
      %sign3A_654 = arith.extui %sign3A_653 : i1 to i32
      %sign3A_655 = arith.constant 0 : i32
      %sign3A_656 = arith.cmpi slt, %jit3A_645, %sign3A_655 : i32
      %sign3A_657 = arith.extui %sign3A_656 : i1 to i32
      %sign3A_658 = arith.subi %sign3A_654, %sign3A_657 : i32
      %ne3A = arith.cmpi ne, %sign3A_651, %sign3A_658 : i32
      %rem3A = arith.remsi %sub3A_432, %jit3A_645 : i32
      %ne3A_659 = arith.constant 0 : i32
      %ne3A_660 = arith.cmpi ne, %rem3A, %ne3A_659 : i32
      %and3A_661 = arith.andi %ne3A, %ne3A_660 : i1
      %sub3A_662 = arith.constant 1 : i32
      %sub3A_663 = arith.subi %div3A, %sub3A_662 : i32
      %select_n3A_664 = arith.select %and3A_661, %sub3A_663, %div3A : i32
      %mul3A_665 = arith.constant 16 : i32
      %mul3A_666 = arith.muli %select_n3A_664, %mul3A_665 : i32
      %sub3A_667 = arith.subi %sub3A_432, %mul3A_666 : i32
      %get3A_668 = arith.index_cast %mul3A_666 : i32 to index
      %get3A_669 = tpu.vector_load %arg6[%get3A_668] {strides = array<i32>} : memref<32768xf32, #tpu.memory_space<vmem>>, vector<16xf32>,
      %eq3A_670 = vector.broadcast %sub3A_667 : i32 to vector<16xi32>
      %eq3A_671 = arith.cmpi eq, %iota3A, %eq3A_670 : vector<16xi32>
      %jit3A_672 = arith.constant 0.000000e+00 : f32
      %broadcast_in_dim3A_673 = vector.broadcast %jit3A_672 : f32 to vector<16xf32>
      %select_n3A_674 = arith.select %eq3A_671, %broadcast_in_dim3A_673, %get3A_669 : vector<16xi1>, vector<16xf32>
      %swap3A = arith.index_cast %mul3A_666 : i32 to index
      %swap3A_675 = tpu.vector_load %arg6[%swap3A] {strides = array<i32>} : memref<32768xf32, #tpu.memory_space<vmem>>, vector<16xf32>,
      tpu.vector_store %arg6[%swap3A], %select_n3A_674 {strides = array<i32>} : memref<32768xf32, #tpu.memory_space<vmem>>, vector<16xf32>,
    } else {
    }
    %add3A_441 = arith.constant 327680 : i32
    %add3A_442 = arith.addi %mul3A_2, %add3A_441 : i32
    %dma_start3A_443 = tpu.memref_slice %arg4[%add3A_442] : memref<16777216xf32, #tpu.memory_space<hbm>> -> memref<32768xf32, #tpu.memory_space<hbm>>
    %dma_start3A_444 = tpu.memref_slice %arg4[%add3A_442] : memref<16777216xf32, #tpu.memory_space<hbm>> -> memref<32768xf32, #tpu.memory_space<hbm>>
    tpu.enqueue_dma source(%arg6 : memref<32768xf32, #tpu.memory_space<vmem>>) target(%dma_start3A_444 : memref<32768xf32, #tpu.memory_space<hbm>>) target_semaphore(%arg10 : memref<!tpu.dma_semaphore, #tpu.memory_space<semaphore_mem>>)
    %add3A_445 = arith.constant 360448 : i32
    %add3A_446 = arith.addi %mul3A_2, %add3A_445 : i32
    %dma_wait3A_447 = tpu.memref_slice %arg2[%add3A_446] : memref<16777216xf32, #tpu.memory_space<hbm>> -> memref<32768xf32, #tpu.memory_space<hbm>>
    %dma_wait3A_448 = tpu.memref_slice %arg2[%add3A_446] : memref<16777216xf32, #tpu.memory_space<hbm>> -> memref<32768xf32, #tpu.memory_space<hbm>>
    tpu.wait_dma2 semaphore(%arg9 : memref<!tpu.dma_semaphore, #tpu.memory_space<semaphore_mem>>) src(%dma_wait3A_448 : memref<32768xf32, #tpu.memory_space<hbm>>) dst(%arg7 : memref<32768xf32, #tpu.memory_space<vmem>>)
    %add3A_449 = arith.constant 327680 : i32
    %add3A_450 = arith.addi %mul3A_2, %add3A_449 : i32
    %dma_wait3A_451 = tpu.memref_slice %arg4[%add3A_450] : memref<16777216xf32, #tpu.memory_space<hbm>> -> memref<32768xf32, #tpu.memory_space<hbm>>
    %dma_wait3A_452 = tpu.memref_slice %arg4[%add3A_450] : memref<16777216xf32, #tpu.memory_space<hbm>> -> memref<32768xf32, #tpu.memory_space<hbm>>
    tpu.wait_dma2 semaphore(%arg10 : memref<!tpu.dma_semaphore, #tpu.memory_space<semaphore_mem>>) src(%arg6 : memref<32768xf32, #tpu.memory_space<vmem>>) dst(%dma_wait3A_452 : memref<32768xf32, #tpu.memory_space<hbm>>)
    %add3A_453 = arith.constant 393216 : i32
    %add3A_454 = arith.addi %mul3A_2, %add3A_453 : i32
    %dma_start3A_455 = tpu.memref_slice %arg2[%add3A_454] : memref<16777216xf32, #tpu.memory_space<hbm>> -> memref<32768xf32, #tpu.memory_space<hbm>>
    %dma_start3A_456 = tpu.memref_slice %arg2[%add3A_454] : memref<16777216xf32, #tpu.memory_space<hbm>> -> memref<32768xf32, #tpu.memory_space<hbm>>
    tpu.enqueue_dma source(%dma_start3A_456 : memref<32768xf32, #tpu.memory_space<hbm>>) target(%arg6 : memref<32768xf32, #tpu.memory_space<vmem>>) target_semaphore(%arg8 : memref<!tpu.dma_semaphore, #tpu.memory_space<semaphore_mem>>)
    %add3A_457 = arith.constant 360448 : i32
    %add3A_458 = arith.addi %mul3A_2, %add3A_457 : i32
    %add3A_459 = arith.constant 0 : i32
    %add3A_460 = arith.addi %reduce_max3A_12, %add3A_459 : i32
    %sub3A_461 = arith.subi %add3A_460, %add3A_458 : i32
    %ge3A_462 = arith.constant 0 : i32
    %ge3A_463 = arith.cmpi sge, %sub3A_461, %ge3A_462 : i32
    %lt3A_464 = arith.constant 32768 : i32
    %lt3A_465 = arith.cmpi slt, %sub3A_461, %lt3A_464 : i32
    %and3A_466 = arith.andi %ge3A_463, %lt3A_465 : i1
    %convert_element_type3A_467 = arith.extui %and3A_466 : i1 to i32
    %cond3A_468 = arith.constant 0 : i32
    %cond3A_469 = arith.cmpi ne, %convert_element_type3A_467, %cond3A_468 : i32
    scf.if %cond3A_469 {
      %jit3A_645 = arith.constant 16 : i32
      %div3A = arith.divsi %sub3A_461, %jit3A_645 : i32
      %sign3A = arith.constant 0 : i32
      %sign3A_646 = arith.cmpi sgt, %sub3A_461, %sign3A : i32
      %sign3A_647 = arith.extui %sign3A_646 : i1 to i32
      %sign3A_648 = arith.constant 0 : i32
      %sign3A_649 = arith.cmpi slt, %sub3A_461, %sign3A_648 : i32
      %sign3A_650 = arith.extui %sign3A_649 : i1 to i32
      %sign3A_651 = arith.subi %sign3A_647, %sign3A_650 : i32
      %sign3A_652 = arith.constant 0 : i32
      %sign3A_653 = arith.cmpi sgt, %jit3A_645, %sign3A_652 : i32
      %sign3A_654 = arith.extui %sign3A_653 : i1 to i32
      %sign3A_655 = arith.constant 0 : i32
      %sign3A_656 = arith.cmpi slt, %jit3A_645, %sign3A_655 : i32
      %sign3A_657 = arith.extui %sign3A_656 : i1 to i32
      %sign3A_658 = arith.subi %sign3A_654, %sign3A_657 : i32
      %ne3A = arith.cmpi ne, %sign3A_651, %sign3A_658 : i32
      %rem3A = arith.remsi %sub3A_461, %jit3A_645 : i32
      %ne3A_659 = arith.constant 0 : i32
      %ne3A_660 = arith.cmpi ne, %rem3A, %ne3A_659 : i32
      %and3A_661 = arith.andi %ne3A, %ne3A_660 : i1
      %sub3A_662 = arith.constant 1 : i32
      %sub3A_663 = arith.subi %div3A, %sub3A_662 : i32
      %select_n3A_664 = arith.select %and3A_661, %sub3A_663, %div3A : i32
      %mul3A_665 = arith.constant 16 : i32
      %mul3A_666 = arith.muli %select_n3A_664, %mul3A_665 : i32
      %sub3A_667 = arith.subi %sub3A_461, %mul3A_666 : i32
      %get3A_668 = arith.index_cast %mul3A_666 : i32 to index
      %get3A_669 = tpu.vector_load %arg7[%get3A_668] {strides = array<i32>} : memref<32768xf32, #tpu.memory_space<vmem>>, vector<16xf32>,
      %eq3A_670 = vector.broadcast %sub3A_667 : i32 to vector<16xi32>
      %eq3A_671 = arith.cmpi eq, %iota3A, %eq3A_670 : vector<16xi32>
      %jit3A_672 = arith.constant 0.000000e+00 : f32
      %broadcast_in_dim3A_673 = vector.broadcast %jit3A_672 : f32 to vector<16xf32>
      %select_n3A_674 = arith.select %eq3A_671, %broadcast_in_dim3A_673, %get3A_669 : vector<16xi1>, vector<16xf32>
      %swap3A = arith.index_cast %mul3A_666 : i32 to index
      %swap3A_675 = tpu.vector_load %arg7[%swap3A] {strides = array<i32>} : memref<32768xf32, #tpu.memory_space<vmem>>, vector<16xf32>,
      tpu.vector_store %arg7[%swap3A], %select_n3A_674 {strides = array<i32>} : memref<32768xf32, #tpu.memory_space<vmem>>, vector<16xf32>,
    } else {
    }
    %add3A_470 = arith.constant 1 : i32
    %add3A_471 = arith.addi %reduce_max3A_12, %add3A_470 : i32
    %sub3A_472 = arith.subi %add3A_471, %add3A_458 : i32
    %ge3A_473 = arith.constant 0 : i32
    %ge3A_474 = arith.cmpi sge, %sub3A_472, %ge3A_473 : i32
    %lt3A_475 = arith.constant 32768 : i32
    %lt3A_476 = arith.cmpi slt, %sub3A_472, %lt3A_475 : i32
    %and3A_477 = arith.andi %ge3A_474, %lt3A_476 : i1
    %convert_element_type3A_478 = arith.extui %and3A_477 : i1 to i32
    %cond3A_479 = arith.constant 0 : i32
    %cond3A_480 = arith.cmpi ne, %convert_element_type3A_478, %cond3A_479 : i32
    scf.if %cond3A_480 {
      %jit3A_645 = arith.constant 16 : i32
      %div3A = arith.divsi %sub3A_472, %jit3A_645 : i32
      %sign3A = arith.constant 0 : i32
      %sign3A_646 = arith.cmpi sgt, %sub3A_472, %sign3A : i32
      %sign3A_647 = arith.extui %sign3A_646 : i1 to i32
      %sign3A_648 = arith.constant 0 : i32
      %sign3A_649 = arith.cmpi slt, %sub3A_472, %sign3A_648 : i32
      %sign3A_650 = arith.extui %sign3A_649 : i1 to i32
      %sign3A_651 = arith.subi %sign3A_647, %sign3A_650 : i32
      %sign3A_652 = arith.constant 0 : i32
      %sign3A_653 = arith.cmpi sgt, %jit3A_645, %sign3A_652 : i32
      %sign3A_654 = arith.extui %sign3A_653 : i1 to i32
      %sign3A_655 = arith.constant 0 : i32
      %sign3A_656 = arith.cmpi slt, %jit3A_645, %sign3A_655 : i32
      %sign3A_657 = arith.extui %sign3A_656 : i1 to i32
      %sign3A_658 = arith.subi %sign3A_654, %sign3A_657 : i32
      %ne3A = arith.cmpi ne, %sign3A_651, %sign3A_658 : i32
      %rem3A = arith.remsi %sub3A_472, %jit3A_645 : i32
      %ne3A_659 = arith.constant 0 : i32
      %ne3A_660 = arith.cmpi ne, %rem3A, %ne3A_659 : i32
      %and3A_661 = arith.andi %ne3A, %ne3A_660 : i1
      %sub3A_662 = arith.constant 1 : i32
      %sub3A_663 = arith.subi %div3A, %sub3A_662 : i32
      %select_n3A_664 = arith.select %and3A_661, %sub3A_663, %div3A : i32
      %mul3A_665 = arith.constant 16 : i32
      %mul3A_666 = arith.muli %select_n3A_664, %mul3A_665 : i32
      %sub3A_667 = arith.subi %sub3A_472, %mul3A_666 : i32
      %get3A_668 = arith.index_cast %mul3A_666 : i32 to index
      %get3A_669 = tpu.vector_load %arg7[%get3A_668] {strides = array<i32>} : memref<32768xf32, #tpu.memory_space<vmem>>, vector<16xf32>,
      %eq3A_670 = vector.broadcast %sub3A_667 : i32 to vector<16xi32>
      %eq3A_671 = arith.cmpi eq, %iota3A, %eq3A_670 : vector<16xi32>
      %jit3A_672 = arith.constant 0.000000e+00 : f32
      %broadcast_in_dim3A_673 = vector.broadcast %jit3A_672 : f32 to vector<16xf32>
      %select_n3A_674 = arith.select %eq3A_671, %broadcast_in_dim3A_673, %get3A_669 : vector<16xi1>, vector<16xf32>
      %swap3A = arith.index_cast %mul3A_666 : i32 to index
      %swap3A_675 = tpu.vector_load %arg7[%swap3A] {strides = array<i32>} : memref<32768xf32, #tpu.memory_space<vmem>>, vector<16xf32>,
      tpu.vector_store %arg7[%swap3A], %select_n3A_674 {strides = array<i32>} : memref<32768xf32, #tpu.memory_space<vmem>>, vector<16xf32>,
    } else {
    }
    %add3A_481 = arith.constant 360448 : i32
    %add3A_482 = arith.addi %mul3A_2, %add3A_481 : i32
    %dma_start3A_483 = tpu.memref_slice %arg4[%add3A_482] : memref<16777216xf32, #tpu.memory_space<hbm>> -> memref<32768xf32, #tpu.memory_space<hbm>>
    %dma_start3A_484 = tpu.memref_slice %arg4[%add3A_482] : memref<16777216xf32, #tpu.memory_space<hbm>> -> memref<32768xf32, #tpu.memory_space<hbm>>
    tpu.enqueue_dma source(%arg7 : memref<32768xf32, #tpu.memory_space<vmem>>) target(%dma_start3A_484 : memref<32768xf32, #tpu.memory_space<hbm>>) target_semaphore(%arg11 : memref<!tpu.dma_semaphore, #tpu.memory_space<semaphore_mem>>)
    %add3A_485 = arith.constant 393216 : i32
    %add3A_486 = arith.addi %mul3A_2, %add3A_485 : i32
    %dma_wait3A_487 = tpu.memref_slice %arg2[%add3A_486] : memref<16777216xf32, #tpu.memory_space<hbm>> -> memref<32768xf32, #tpu.memory_space<hbm>>
    %dma_wait3A_488 = tpu.memref_slice %arg2[%add3A_486] : memref<16777216xf32, #tpu.memory_space<hbm>> -> memref<32768xf32, #tpu.memory_space<hbm>>
    tpu.wait_dma2 semaphore(%arg8 : memref<!tpu.dma_semaphore, #tpu.memory_space<semaphore_mem>>) src(%dma_wait3A_488 : memref<32768xf32, #tpu.memory_space<hbm>>) dst(%arg6 : memref<32768xf32, #tpu.memory_space<vmem>>)
    %add3A_489 = arith.constant 360448 : i32
    %add3A_490 = arith.addi %mul3A_2, %add3A_489 : i32
    %dma_wait3A_491 = tpu.memref_slice %arg4[%add3A_490] : memref<16777216xf32, #tpu.memory_space<hbm>> -> memref<32768xf32, #tpu.memory_space<hbm>>
    %dma_wait3A_492 = tpu.memref_slice %arg4[%add3A_490] : memref<16777216xf32, #tpu.memory_space<hbm>> -> memref<32768xf32, #tpu.memory_space<hbm>>
    tpu.wait_dma2 semaphore(%arg11 : memref<!tpu.dma_semaphore, #tpu.memory_space<semaphore_mem>>) src(%arg7 : memref<32768xf32, #tpu.memory_space<vmem>>) dst(%dma_wait3A_492 : memref<32768xf32, #tpu.memory_space<hbm>>)
    %add3A_493 = arith.constant 425984 : i32
    %add3A_494 = arith.addi %mul3A_2, %add3A_493 : i32
    %dma_start3A_495 = tpu.memref_slice %arg2[%add3A_494] : memref<16777216xf32, #tpu.memory_space<hbm>> -> memref<32768xf32, #tpu.memory_space<hbm>>
    %dma_start3A_496 = tpu.memref_slice %arg2[%add3A_494] : memref<16777216xf32, #tpu.memory_space<hbm>> -> memref<32768xf32, #tpu.memory_space<hbm>>
    tpu.enqueue_dma source(%dma_start3A_496 : memref<32768xf32, #tpu.memory_space<hbm>>) target(%arg7 : memref<32768xf32, #tpu.memory_space<vmem>>) target_semaphore(%arg9 : memref<!tpu.dma_semaphore, #tpu.memory_space<semaphore_mem>>)
    %add3A_497 = arith.constant 393216 : i32
    %add3A_498 = arith.addi %mul3A_2, %add3A_497 : i32
    %add3A_499 = arith.constant 0 : i32
    %add3A_500 = arith.addi %reduce_max3A_12, %add3A_499 : i32
    %sub3A_501 = arith.subi %add3A_500, %add3A_498 : i32
    %ge3A_502 = arith.constant 0 : i32
    %ge3A_503 = arith.cmpi sge, %sub3A_501, %ge3A_502 : i32
    %lt3A_504 = arith.constant 32768 : i32
    %lt3A_505 = arith.cmpi slt, %sub3A_501, %lt3A_504 : i32
    %and3A_506 = arith.andi %ge3A_503, %lt3A_505 : i1
    %convert_element_type3A_507 = arith.extui %and3A_506 : i1 to i32
    %cond3A_508 = arith.constant 0 : i32
    %cond3A_509 = arith.cmpi ne, %convert_element_type3A_507, %cond3A_508 : i32
    scf.if %cond3A_509 {
      %jit3A_645 = arith.constant 16 : i32
      %div3A = arith.divsi %sub3A_501, %jit3A_645 : i32
      %sign3A = arith.constant 0 : i32
      %sign3A_646 = arith.cmpi sgt, %sub3A_501, %sign3A : i32
      %sign3A_647 = arith.extui %sign3A_646 : i1 to i32
      %sign3A_648 = arith.constant 0 : i32
      %sign3A_649 = arith.cmpi slt, %sub3A_501, %sign3A_648 : i32
      %sign3A_650 = arith.extui %sign3A_649 : i1 to i32
      %sign3A_651 = arith.subi %sign3A_647, %sign3A_650 : i32
      %sign3A_652 = arith.constant 0 : i32
      %sign3A_653 = arith.cmpi sgt, %jit3A_645, %sign3A_652 : i32
      %sign3A_654 = arith.extui %sign3A_653 : i1 to i32
      %sign3A_655 = arith.constant 0 : i32
      %sign3A_656 = arith.cmpi slt, %jit3A_645, %sign3A_655 : i32
      %sign3A_657 = arith.extui %sign3A_656 : i1 to i32
      %sign3A_658 = arith.subi %sign3A_654, %sign3A_657 : i32
      %ne3A = arith.cmpi ne, %sign3A_651, %sign3A_658 : i32
      %rem3A = arith.remsi %sub3A_501, %jit3A_645 : i32
      %ne3A_659 = arith.constant 0 : i32
      %ne3A_660 = arith.cmpi ne, %rem3A, %ne3A_659 : i32
      %and3A_661 = arith.andi %ne3A, %ne3A_660 : i1
      %sub3A_662 = arith.constant 1 : i32
      %sub3A_663 = arith.subi %div3A, %sub3A_662 : i32
      %select_n3A_664 = arith.select %and3A_661, %sub3A_663, %div3A : i32
      %mul3A_665 = arith.constant 16 : i32
      %mul3A_666 = arith.muli %select_n3A_664, %mul3A_665 : i32
      %sub3A_667 = arith.subi %sub3A_501, %mul3A_666 : i32
      %get3A_668 = arith.index_cast %mul3A_666 : i32 to index
      %get3A_669 = tpu.vector_load %arg6[%get3A_668] {strides = array<i32>} : memref<32768xf32, #tpu.memory_space<vmem>>, vector<16xf32>,
      %eq3A_670 = vector.broadcast %sub3A_667 : i32 to vector<16xi32>
      %eq3A_671 = arith.cmpi eq, %iota3A, %eq3A_670 : vector<16xi32>
      %jit3A_672 = arith.constant 0.000000e+00 : f32
      %broadcast_in_dim3A_673 = vector.broadcast %jit3A_672 : f32 to vector<16xf32>
      %select_n3A_674 = arith.select %eq3A_671, %broadcast_in_dim3A_673, %get3A_669 : vector<16xi1>, vector<16xf32>
      %swap3A = arith.index_cast %mul3A_666 : i32 to index
      %swap3A_675 = tpu.vector_load %arg6[%swap3A] {strides = array<i32>} : memref<32768xf32, #tpu.memory_space<vmem>>, vector<16xf32>,
      tpu.vector_store %arg6[%swap3A], %select_n3A_674 {strides = array<i32>} : memref<32768xf32, #tpu.memory_space<vmem>>, vector<16xf32>,
    } else {
    }
    %add3A_510 = arith.constant 1 : i32
    %add3A_511 = arith.addi %reduce_max3A_12, %add3A_510 : i32
    %sub3A_512 = arith.subi %add3A_511, %add3A_498 : i32
    %ge3A_513 = arith.constant 0 : i32
    %ge3A_514 = arith.cmpi sge, %sub3A_512, %ge3A_513 : i32
    %lt3A_515 = arith.constant 32768 : i32
    %lt3A_516 = arith.cmpi slt, %sub3A_512, %lt3A_515 : i32
    %and3A_517 = arith.andi %ge3A_514, %lt3A_516 : i1
    %convert_element_type3A_518 = arith.extui %and3A_517 : i1 to i32
    %cond3A_519 = arith.constant 0 : i32
    %cond3A_520 = arith.cmpi ne, %convert_element_type3A_518, %cond3A_519 : i32
    scf.if %cond3A_520 {
      %jit3A_645 = arith.constant 16 : i32
      %div3A = arith.divsi %sub3A_512, %jit3A_645 : i32
      %sign3A = arith.constant 0 : i32
      %sign3A_646 = arith.cmpi sgt, %sub3A_512, %sign3A : i32
      %sign3A_647 = arith.extui %sign3A_646 : i1 to i32
      %sign3A_648 = arith.constant 0 : i32
      %sign3A_649 = arith.cmpi slt, %sub3A_512, %sign3A_648 : i32
      %sign3A_650 = arith.extui %sign3A_649 : i1 to i32
      %sign3A_651 = arith.subi %sign3A_647, %sign3A_650 : i32
      %sign3A_652 = arith.constant 0 : i32
      %sign3A_653 = arith.cmpi sgt, %jit3A_645, %sign3A_652 : i32
      %sign3A_654 = arith.extui %sign3A_653 : i1 to i32
      %sign3A_655 = arith.constant 0 : i32
      %sign3A_656 = arith.cmpi slt, %jit3A_645, %sign3A_655 : i32
      %sign3A_657 = arith.extui %sign3A_656 : i1 to i32
      %sign3A_658 = arith.subi %sign3A_654, %sign3A_657 : i32
      %ne3A = arith.cmpi ne, %sign3A_651, %sign3A_658 : i32
      %rem3A = arith.remsi %sub3A_512, %jit3A_645 : i32
      %ne3A_659 = arith.constant 0 : i32
      %ne3A_660 = arith.cmpi ne, %rem3A, %ne3A_659 : i32
      %and3A_661 = arith.andi %ne3A, %ne3A_660 : i1
      %sub3A_662 = arith.constant 1 : i32
      %sub3A_663 = arith.subi %div3A, %sub3A_662 : i32
      %select_n3A_664 = arith.select %and3A_661, %sub3A_663, %div3A : i32
      %mul3A_665 = arith.constant 16 : i32
      %mul3A_666 = arith.muli %select_n3A_664, %mul3A_665 : i32
      %sub3A_667 = arith.subi %sub3A_512, %mul3A_666 : i32
      %get3A_668 = arith.index_cast %mul3A_666 : i32 to index
      %get3A_669 = tpu.vector_load %arg6[%get3A_668] {strides = array<i32>} : memref<32768xf32, #tpu.memory_space<vmem>>, vector<16xf32>,
      %eq3A_670 = vector.broadcast %sub3A_667 : i32 to vector<16xi32>
      %eq3A_671 = arith.cmpi eq, %iota3A, %eq3A_670 : vector<16xi32>
      %jit3A_672 = arith.constant 0.000000e+00 : f32
      %broadcast_in_dim3A_673 = vector.broadcast %jit3A_672 : f32 to vector<16xf32>
      %select_n3A_674 = arith.select %eq3A_671, %broadcast_in_dim3A_673, %get3A_669 : vector<16xi1>, vector<16xf32>
      %swap3A = arith.index_cast %mul3A_666 : i32 to index
      %swap3A_675 = tpu.vector_load %arg6[%swap3A] {strides = array<i32>} : memref<32768xf32, #tpu.memory_space<vmem>>, vector<16xf32>,
      tpu.vector_store %arg6[%swap3A], %select_n3A_674 {strides = array<i32>} : memref<32768xf32, #tpu.memory_space<vmem>>, vector<16xf32>,
    } else {
    }
    %add3A_521 = arith.constant 393216 : i32
    %add3A_522 = arith.addi %mul3A_2, %add3A_521 : i32
    %dma_start3A_523 = tpu.memref_slice %arg4[%add3A_522] : memref<16777216xf32, #tpu.memory_space<hbm>> -> memref<32768xf32, #tpu.memory_space<hbm>>
    %dma_start3A_524 = tpu.memref_slice %arg4[%add3A_522] : memref<16777216xf32, #tpu.memory_space<hbm>> -> memref<32768xf32, #tpu.memory_space<hbm>>
    tpu.enqueue_dma source(%arg6 : memref<32768xf32, #tpu.memory_space<vmem>>) target(%dma_start3A_524 : memref<32768xf32, #tpu.memory_space<hbm>>) target_semaphore(%arg10 : memref<!tpu.dma_semaphore, #tpu.memory_space<semaphore_mem>>)
    %add3A_525 = arith.constant 425984 : i32
    %add3A_526 = arith.addi %mul3A_2, %add3A_525 : i32
    %dma_wait3A_527 = tpu.memref_slice %arg2[%add3A_526] : memref<16777216xf32, #tpu.memory_space<hbm>> -> memref<32768xf32, #tpu.memory_space<hbm>>
    %dma_wait3A_528 = tpu.memref_slice %arg2[%add3A_526] : memref<16777216xf32, #tpu.memory_space<hbm>> -> memref<32768xf32, #tpu.memory_space<hbm>>
    tpu.wait_dma2 semaphore(%arg9 : memref<!tpu.dma_semaphore, #tpu.memory_space<semaphore_mem>>) src(%dma_wait3A_528 : memref<32768xf32, #tpu.memory_space<hbm>>) dst(%arg7 : memref<32768xf32, #tpu.memory_space<vmem>>)
    %add3A_529 = arith.constant 393216 : i32
    %add3A_530 = arith.addi %mul3A_2, %add3A_529 : i32
    %dma_wait3A_531 = tpu.memref_slice %arg4[%add3A_530] : memref<16777216xf32, #tpu.memory_space<hbm>> -> memref<32768xf32, #tpu.memory_space<hbm>>
    %dma_wait3A_532 = tpu.memref_slice %arg4[%add3A_530] : memref<16777216xf32, #tpu.memory_space<hbm>> -> memref<32768xf32, #tpu.memory_space<hbm>>
    tpu.wait_dma2 semaphore(%arg10 : memref<!tpu.dma_semaphore, #tpu.memory_space<semaphore_mem>>) src(%arg6 : memref<32768xf32, #tpu.memory_space<vmem>>) dst(%dma_wait3A_532 : memref<32768xf32, #tpu.memory_space<hbm>>)
    %add3A_533 = arith.constant 458752 : i32
    %add3A_534 = arith.addi %mul3A_2, %add3A_533 : i32
    %dma_start3A_535 = tpu.memref_slice %arg2[%add3A_534] : memref<16777216xf32, #tpu.memory_space<hbm>> -> memref<32768xf32, #tpu.memory_space<hbm>>
    %dma_start3A_536 = tpu.memref_slice %arg2[%add3A_534] : memref<16777216xf32, #tpu.memory_space<hbm>> -> memref<32768xf32, #tpu.memory_space<hbm>>
    tpu.enqueue_dma source(%dma_start3A_536 : memref<32768xf32, #tpu.memory_space<hbm>>) target(%arg6 : memref<32768xf32, #tpu.memory_space<vmem>>) target_semaphore(%arg8 : memref<!tpu.dma_semaphore, #tpu.memory_space<semaphore_mem>>)
    %add3A_537 = arith.constant 425984 : i32
    %add3A_538 = arith.addi %mul3A_2, %add3A_537 : i32
    %add3A_539 = arith.constant 0 : i32
    %add3A_540 = arith.addi %reduce_max3A_12, %add3A_539 : i32
    %sub3A_541 = arith.subi %add3A_540, %add3A_538 : i32
    %ge3A_542 = arith.constant 0 : i32
    %ge3A_543 = arith.cmpi sge, %sub3A_541, %ge3A_542 : i32
    %lt3A_544 = arith.constant 32768 : i32
    %lt3A_545 = arith.cmpi slt, %sub3A_541, %lt3A_544 : i32
    %and3A_546 = arith.andi %ge3A_543, %lt3A_545 : i1
    %convert_element_type3A_547 = arith.extui %and3A_546 : i1 to i32
    %cond3A_548 = arith.constant 0 : i32
    %cond3A_549 = arith.cmpi ne, %convert_element_type3A_547, %cond3A_548 : i32
    scf.if %cond3A_549 {
      %jit3A_645 = arith.constant 16 : i32
      %div3A = arith.divsi %sub3A_541, %jit3A_645 : i32
      %sign3A = arith.constant 0 : i32
      %sign3A_646 = arith.cmpi sgt, %sub3A_541, %sign3A : i32
      %sign3A_647 = arith.extui %sign3A_646 : i1 to i32
      %sign3A_648 = arith.constant 0 : i32
      %sign3A_649 = arith.cmpi slt, %sub3A_541, %sign3A_648 : i32
      %sign3A_650 = arith.extui %sign3A_649 : i1 to i32
      %sign3A_651 = arith.subi %sign3A_647, %sign3A_650 : i32
      %sign3A_652 = arith.constant 0 : i32
      %sign3A_653 = arith.cmpi sgt, %jit3A_645, %sign3A_652 : i32
      %sign3A_654 = arith.extui %sign3A_653 : i1 to i32
      %sign3A_655 = arith.constant 0 : i32
      %sign3A_656 = arith.cmpi slt, %jit3A_645, %sign3A_655 : i32
      %sign3A_657 = arith.extui %sign3A_656 : i1 to i32
      %sign3A_658 = arith.subi %sign3A_654, %sign3A_657 : i32
      %ne3A = arith.cmpi ne, %sign3A_651, %sign3A_658 : i32
      %rem3A = arith.remsi %sub3A_541, %jit3A_645 : i32
      %ne3A_659 = arith.constant 0 : i32
      %ne3A_660 = arith.cmpi ne, %rem3A, %ne3A_659 : i32
      %and3A_661 = arith.andi %ne3A, %ne3A_660 : i1
      %sub3A_662 = arith.constant 1 : i32
      %sub3A_663 = arith.subi %div3A, %sub3A_662 : i32
      %select_n3A_664 = arith.select %and3A_661, %sub3A_663, %div3A : i32
      %mul3A_665 = arith.constant 16 : i32
      %mul3A_666 = arith.muli %select_n3A_664, %mul3A_665 : i32
      %sub3A_667 = arith.subi %sub3A_541, %mul3A_666 : i32
      %get3A_668 = arith.index_cast %mul3A_666 : i32 to index
      %get3A_669 = tpu.vector_load %arg7[%get3A_668] {strides = array<i32>} : memref<32768xf32, #tpu.memory_space<vmem>>, vector<16xf32>,
      %eq3A_670 = vector.broadcast %sub3A_667 : i32 to vector<16xi32>
      %eq3A_671 = arith.cmpi eq, %iota3A, %eq3A_670 : vector<16xi32>
      %jit3A_672 = arith.constant 0.000000e+00 : f32
      %broadcast_in_dim3A_673 = vector.broadcast %jit3A_672 : f32 to vector<16xf32>
      %select_n3A_674 = arith.select %eq3A_671, %broadcast_in_dim3A_673, %get3A_669 : vector<16xi1>, vector<16xf32>
      %swap3A = arith.index_cast %mul3A_666 : i32 to index
      %swap3A_675 = tpu.vector_load %arg7[%swap3A] {strides = array<i32>} : memref<32768xf32, #tpu.memory_space<vmem>>, vector<16xf32>,
      tpu.vector_store %arg7[%swap3A], %select_n3A_674 {strides = array<i32>} : memref<32768xf32, #tpu.memory_space<vmem>>, vector<16xf32>,
    } else {
    }
    %add3A_550 = arith.constant 1 : i32
    %add3A_551 = arith.addi %reduce_max3A_12, %add3A_550 : i32
    %sub3A_552 = arith.subi %add3A_551, %add3A_538 : i32
    %ge3A_553 = arith.constant 0 : i32
    %ge3A_554 = arith.cmpi sge, %sub3A_552, %ge3A_553 : i32
    %lt3A_555 = arith.constant 32768 : i32
    %lt3A_556 = arith.cmpi slt, %sub3A_552, %lt3A_555 : i32
    %and3A_557 = arith.andi %ge3A_554, %lt3A_556 : i1
    %convert_element_type3A_558 = arith.extui %and3A_557 : i1 to i32
    %cond3A_559 = arith.constant 0 : i32
    %cond3A_560 = arith.cmpi ne, %convert_element_type3A_558, %cond3A_559 : i32
    scf.if %cond3A_560 {
      %jit3A_645 = arith.constant 16 : i32
      %div3A = arith.divsi %sub3A_552, %jit3A_645 : i32
      %sign3A = arith.constant 0 : i32
      %sign3A_646 = arith.cmpi sgt, %sub3A_552, %sign3A : i32
      %sign3A_647 = arith.extui %sign3A_646 : i1 to i32
      %sign3A_648 = arith.constant 0 : i32
      %sign3A_649 = arith.cmpi slt, %sub3A_552, %sign3A_648 : i32
      %sign3A_650 = arith.extui %sign3A_649 : i1 to i32
      %sign3A_651 = arith.subi %sign3A_647, %sign3A_650 : i32
      %sign3A_652 = arith.constant 0 : i32
      %sign3A_653 = arith.cmpi sgt, %jit3A_645, %sign3A_652 : i32
      %sign3A_654 = arith.extui %sign3A_653 : i1 to i32
      %sign3A_655 = arith.constant 0 : i32
      %sign3A_656 = arith.cmpi slt, %jit3A_645, %sign3A_655 : i32
      %sign3A_657 = arith.extui %sign3A_656 : i1 to i32
      %sign3A_658 = arith.subi %sign3A_654, %sign3A_657 : i32
      %ne3A = arith.cmpi ne, %sign3A_651, %sign3A_658 : i32
      %rem3A = arith.remsi %sub3A_552, %jit3A_645 : i32
      %ne3A_659 = arith.constant 0 : i32
      %ne3A_660 = arith.cmpi ne, %rem3A, %ne3A_659 : i32
      %and3A_661 = arith.andi %ne3A, %ne3A_660 : i1
      %sub3A_662 = arith.constant 1 : i32
      %sub3A_663 = arith.subi %div3A, %sub3A_662 : i32
      %select_n3A_664 = arith.select %and3A_661, %sub3A_663, %div3A : i32
      %mul3A_665 = arith.constant 16 : i32
      %mul3A_666 = arith.muli %select_n3A_664, %mul3A_665 : i32
      %sub3A_667 = arith.subi %sub3A_552, %mul3A_666 : i32
      %get3A_668 = arith.index_cast %mul3A_666 : i32 to index
      %get3A_669 = tpu.vector_load %arg7[%get3A_668] {strides = array<i32>} : memref<32768xf32, #tpu.memory_space<vmem>>, vector<16xf32>,
      %eq3A_670 = vector.broadcast %sub3A_667 : i32 to vector<16xi32>
      %eq3A_671 = arith.cmpi eq, %iota3A, %eq3A_670 : vector<16xi32>
      %jit3A_672 = arith.constant 0.000000e+00 : f32
      %broadcast_in_dim3A_673 = vector.broadcast %jit3A_672 : f32 to vector<16xf32>
      %select_n3A_674 = arith.select %eq3A_671, %broadcast_in_dim3A_673, %get3A_669 : vector<16xi1>, vector<16xf32>
      %swap3A = arith.index_cast %mul3A_666 : i32 to index
      %swap3A_675 = tpu.vector_load %arg7[%swap3A] {strides = array<i32>} : memref<32768xf32, #tpu.memory_space<vmem>>, vector<16xf32>,
      tpu.vector_store %arg7[%swap3A], %select_n3A_674 {strides = array<i32>} : memref<32768xf32, #tpu.memory_space<vmem>>, vector<16xf32>,
    } else {
    }
    %add3A_561 = arith.constant 425984 : i32
    %add3A_562 = arith.addi %mul3A_2, %add3A_561 : i32
    %dma_start3A_563 = tpu.memref_slice %arg4[%add3A_562] : memref<16777216xf32, #tpu.memory_space<hbm>> -> memref<32768xf32, #tpu.memory_space<hbm>>
    %dma_start3A_564 = tpu.memref_slice %arg4[%add3A_562] : memref<16777216xf32, #tpu.memory_space<hbm>> -> memref<32768xf32, #tpu.memory_space<hbm>>
    tpu.enqueue_dma source(%arg7 : memref<32768xf32, #tpu.memory_space<vmem>>) target(%dma_start3A_564 : memref<32768xf32, #tpu.memory_space<hbm>>) target_semaphore(%arg11 : memref<!tpu.dma_semaphore, #tpu.memory_space<semaphore_mem>>)
    %add3A_565 = arith.constant 458752 : i32
    %add3A_566 = arith.addi %mul3A_2, %add3A_565 : i32
    %dma_wait3A_567 = tpu.memref_slice %arg2[%add3A_566] : memref<16777216xf32, #tpu.memory_space<hbm>> -> memref<32768xf32, #tpu.memory_space<hbm>>
    %dma_wait3A_568 = tpu.memref_slice %arg2[%add3A_566] : memref<16777216xf32, #tpu.memory_space<hbm>> -> memref<32768xf32, #tpu.memory_space<hbm>>
    tpu.wait_dma2 semaphore(%arg8 : memref<!tpu.dma_semaphore, #tpu.memory_space<semaphore_mem>>) src(%dma_wait3A_568 : memref<32768xf32, #tpu.memory_space<hbm>>) dst(%arg6 : memref<32768xf32, #tpu.memory_space<vmem>>)
    %add3A_569 = arith.constant 425984 : i32
    %add3A_570 = arith.addi %mul3A_2, %add3A_569 : i32
    %dma_wait3A_571 = tpu.memref_slice %arg4[%add3A_570] : memref<16777216xf32, #tpu.memory_space<hbm>> -> memref<32768xf32, #tpu.memory_space<hbm>>
    %dma_wait3A_572 = tpu.memref_slice %arg4[%add3A_570] : memref<16777216xf32, #tpu.memory_space<hbm>> -> memref<32768xf32, #tpu.memory_space<hbm>>
    tpu.wait_dma2 semaphore(%arg11 : memref<!tpu.dma_semaphore, #tpu.memory_space<semaphore_mem>>) src(%arg7 : memref<32768xf32, #tpu.memory_space<vmem>>) dst(%dma_wait3A_572 : memref<32768xf32, #tpu.memory_space<hbm>>)
    %add3A_573 = arith.constant 491520 : i32
    %add3A_574 = arith.addi %mul3A_2, %add3A_573 : i32
    %dma_start3A_575 = tpu.memref_slice %arg2[%add3A_574] : memref<16777216xf32, #tpu.memory_space<hbm>> -> memref<32768xf32, #tpu.memory_space<hbm>>
    %dma_start3A_576 = tpu.memref_slice %arg2[%add3A_574] : memref<16777216xf32, #tpu.memory_space<hbm>> -> memref<32768xf32, #tpu.memory_space<hbm>>
    tpu.enqueue_dma source(%dma_start3A_576 : memref<32768xf32, #tpu.memory_space<hbm>>) target(%arg7 : memref<32768xf32, #tpu.memory_space<vmem>>) target_semaphore(%arg9 : memref<!tpu.dma_semaphore, #tpu.memory_space<semaphore_mem>>)
    %add3A_577 = arith.constant 458752 : i32
    %add3A_578 = arith.addi %mul3A_2, %add3A_577 : i32
    %add3A_579 = arith.constant 0 : i32
    %add3A_580 = arith.addi %reduce_max3A_12, %add3A_579 : i32
    %sub3A_581 = arith.subi %add3A_580, %add3A_578 : i32
    %ge3A_582 = arith.constant 0 : i32
    %ge3A_583 = arith.cmpi sge, %sub3A_581, %ge3A_582 : i32
    %lt3A_584 = arith.constant 32768 : i32
    %lt3A_585 = arith.cmpi slt, %sub3A_581, %lt3A_584 : i32
    %and3A_586 = arith.andi %ge3A_583, %lt3A_585 : i1
    %convert_element_type3A_587 = arith.extui %and3A_586 : i1 to i32
    %cond3A_588 = arith.constant 0 : i32
    %cond3A_589 = arith.cmpi ne, %convert_element_type3A_587, %cond3A_588 : i32
    scf.if %cond3A_589 {
      %jit3A_645 = arith.constant 16 : i32
      %div3A = arith.divsi %sub3A_581, %jit3A_645 : i32
      %sign3A = arith.constant 0 : i32
      %sign3A_646 = arith.cmpi sgt, %sub3A_581, %sign3A : i32
      %sign3A_647 = arith.extui %sign3A_646 : i1 to i32
      %sign3A_648 = arith.constant 0 : i32
      %sign3A_649 = arith.cmpi slt, %sub3A_581, %sign3A_648 : i32
      %sign3A_650 = arith.extui %sign3A_649 : i1 to i32
      %sign3A_651 = arith.subi %sign3A_647, %sign3A_650 : i32
      %sign3A_652 = arith.constant 0 : i32
      %sign3A_653 = arith.cmpi sgt, %jit3A_645, %sign3A_652 : i32
      %sign3A_654 = arith.extui %sign3A_653 : i1 to i32
      %sign3A_655 = arith.constant 0 : i32
      %sign3A_656 = arith.cmpi slt, %jit3A_645, %sign3A_655 : i32
      %sign3A_657 = arith.extui %sign3A_656 : i1 to i32
      %sign3A_658 = arith.subi %sign3A_654, %sign3A_657 : i32
      %ne3A = arith.cmpi ne, %sign3A_651, %sign3A_658 : i32
      %rem3A = arith.remsi %sub3A_581, %jit3A_645 : i32
      %ne3A_659 = arith.constant 0 : i32
      %ne3A_660 = arith.cmpi ne, %rem3A, %ne3A_659 : i32
      %and3A_661 = arith.andi %ne3A, %ne3A_660 : i1
      %sub3A_662 = arith.constant 1 : i32
      %sub3A_663 = arith.subi %div3A, %sub3A_662 : i32
      %select_n3A_664 = arith.select %and3A_661, %sub3A_663, %div3A : i32
      %mul3A_665 = arith.constant 16 : i32
      %mul3A_666 = arith.muli %select_n3A_664, %mul3A_665 : i32
      %sub3A_667 = arith.subi %sub3A_581, %mul3A_666 : i32
      %get3A_668 = arith.index_cast %mul3A_666 : i32 to index
      %get3A_669 = tpu.vector_load %arg6[%get3A_668] {strides = array<i32>} : memref<32768xf32, #tpu.memory_space<vmem>>, vector<16xf32>,
      %eq3A_670 = vector.broadcast %sub3A_667 : i32 to vector<16xi32>
      %eq3A_671 = arith.cmpi eq, %iota3A, %eq3A_670 : vector<16xi32>
      %jit3A_672 = arith.constant 0.000000e+00 : f32
      %broadcast_in_dim3A_673 = vector.broadcast %jit3A_672 : f32 to vector<16xf32>
      %select_n3A_674 = arith.select %eq3A_671, %broadcast_in_dim3A_673, %get3A_669 : vector<16xi1>, vector<16xf32>
      %swap3A = arith.index_cast %mul3A_666 : i32 to index
      %swap3A_675 = tpu.vector_load %arg6[%swap3A] {strides = array<i32>} : memref<32768xf32, #tpu.memory_space<vmem>>, vector<16xf32>,
      tpu.vector_store %arg6[%swap3A], %select_n3A_674 {strides = array<i32>} : memref<32768xf32, #tpu.memory_space<vmem>>, vector<16xf32>,
    } else {
    }
    %add3A_590 = arith.constant 1 : i32
    %add3A_591 = arith.addi %reduce_max3A_12, %add3A_590 : i32
    %sub3A_592 = arith.subi %add3A_591, %add3A_578 : i32
    %ge3A_593 = arith.constant 0 : i32
    %ge3A_594 = arith.cmpi sge, %sub3A_592, %ge3A_593 : i32
    %lt3A_595 = arith.constant 32768 : i32
    %lt3A_596 = arith.cmpi slt, %sub3A_592, %lt3A_595 : i32
    %and3A_597 = arith.andi %ge3A_594, %lt3A_596 : i1
    %convert_element_type3A_598 = arith.extui %and3A_597 : i1 to i32
    %cond3A_599 = arith.constant 0 : i32
    %cond3A_600 = arith.cmpi ne, %convert_element_type3A_598, %cond3A_599 : i32
    scf.if %cond3A_600 {
      %jit3A_645 = arith.constant 16 : i32
      %div3A = arith.divsi %sub3A_592, %jit3A_645 : i32
      %sign3A = arith.constant 0 : i32
      %sign3A_646 = arith.cmpi sgt, %sub3A_592, %sign3A : i32
      %sign3A_647 = arith.extui %sign3A_646 : i1 to i32
      %sign3A_648 = arith.constant 0 : i32
      %sign3A_649 = arith.cmpi slt, %sub3A_592, %sign3A_648 : i32
      %sign3A_650 = arith.extui %sign3A_649 : i1 to i32
      %sign3A_651 = arith.subi %sign3A_647, %sign3A_650 : i32
      %sign3A_652 = arith.constant 0 : i32
      %sign3A_653 = arith.cmpi sgt, %jit3A_645, %sign3A_652 : i32
      %sign3A_654 = arith.extui %sign3A_653 : i1 to i32
      %sign3A_655 = arith.constant 0 : i32
      %sign3A_656 = arith.cmpi slt, %jit3A_645, %sign3A_655 : i32
      %sign3A_657 = arith.extui %sign3A_656 : i1 to i32
      %sign3A_658 = arith.subi %sign3A_654, %sign3A_657 : i32
      %ne3A = arith.cmpi ne, %sign3A_651, %sign3A_658 : i32
      %rem3A = arith.remsi %sub3A_592, %jit3A_645 : i32
      %ne3A_659 = arith.constant 0 : i32
      %ne3A_660 = arith.cmpi ne, %rem3A, %ne3A_659 : i32
      %and3A_661 = arith.andi %ne3A, %ne3A_660 : i1
      %sub3A_662 = arith.constant 1 : i32
      %sub3A_663 = arith.subi %div3A, %sub3A_662 : i32
      %select_n3A_664 = arith.select %and3A_661, %sub3A_663, %div3A : i32
      %mul3A_665 = arith.constant 16 : i32
      %mul3A_666 = arith.muli %select_n3A_664, %mul3A_665 : i32
      %sub3A_667 = arith.subi %sub3A_592, %mul3A_666 : i32
      %get3A_668 = arith.index_cast %mul3A_666 : i32 to index
      %get3A_669 = tpu.vector_load %arg6[%get3A_668] {strides = array<i32>} : memref<32768xf32, #tpu.memory_space<vmem>>, vector<16xf32>,
      %eq3A_670 = vector.broadcast %sub3A_667 : i32 to vector<16xi32>
      %eq3A_671 = arith.cmpi eq, %iota3A, %eq3A_670 : vector<16xi32>
      %jit3A_672 = arith.constant 0.000000e+00 : f32
      %broadcast_in_dim3A_673 = vector.broadcast %jit3A_672 : f32 to vector<16xf32>
      %select_n3A_674 = arith.select %eq3A_671, %broadcast_in_dim3A_673, %get3A_669 : vector<16xi1>, vector<16xf32>
      %swap3A = arith.index_cast %mul3A_666 : i32 to index
      %swap3A_675 = tpu.vector_load %arg6[%swap3A] {strides = array<i32>} : memref<32768xf32, #tpu.memory_space<vmem>>, vector<16xf32>,
      tpu.vector_store %arg6[%swap3A], %select_n3A_674 {strides = array<i32>} : memref<32768xf32, #tpu.memory_space<vmem>>, vector<16xf32>,
    } else {
    }
    %add3A_601 = arith.constant 458752 : i32
    %add3A_602 = arith.addi %mul3A_2, %add3A_601 : i32
    %dma_start3A_603 = tpu.memref_slice %arg4[%add3A_602] : memref<16777216xf32, #tpu.memory_space<hbm>> -> memref<32768xf32, #tpu.memory_space<hbm>>
    %dma_start3A_604 = tpu.memref_slice %arg4[%add3A_602] : memref<16777216xf32, #tpu.memory_space<hbm>> -> memref<32768xf32, #tpu.memory_space<hbm>>
    tpu.enqueue_dma source(%arg6 : memref<32768xf32, #tpu.memory_space<vmem>>) target(%dma_start3A_604 : memref<32768xf32, #tpu.memory_space<hbm>>) target_semaphore(%arg10 : memref<!tpu.dma_semaphore, #tpu.memory_space<semaphore_mem>>)
    %add3A_605 = arith.constant 491520 : i32
    %add3A_606 = arith.addi %mul3A_2, %add3A_605 : i32
    %dma_wait3A_607 = tpu.memref_slice %arg2[%add3A_606] : memref<16777216xf32, #tpu.memory_space<hbm>> -> memref<32768xf32, #tpu.memory_space<hbm>>
    %dma_wait3A_608 = tpu.memref_slice %arg2[%add3A_606] : memref<16777216xf32, #tpu.memory_space<hbm>> -> memref<32768xf32, #tpu.memory_space<hbm>>
    tpu.wait_dma2 semaphore(%arg9 : memref<!tpu.dma_semaphore, #tpu.memory_space<semaphore_mem>>) src(%dma_wait3A_608 : memref<32768xf32, #tpu.memory_space<hbm>>) dst(%arg7 : memref<32768xf32, #tpu.memory_space<vmem>>)
    %add3A_609 = arith.constant 491520 : i32
    %add3A_610 = arith.addi %mul3A_2, %add3A_609 : i32
    %add3A_611 = arith.constant 0 : i32
    %add3A_612 = arith.addi %reduce_max3A_12, %add3A_611 : i32
    %sub3A_613 = arith.subi %add3A_612, %add3A_610 : i32
    %ge3A_614 = arith.constant 0 : i32
    %ge3A_615 = arith.cmpi sge, %sub3A_613, %ge3A_614 : i32
    %lt3A_616 = arith.constant 32768 : i32
    %lt3A_617 = arith.cmpi slt, %sub3A_613, %lt3A_616 : i32
    %and3A_618 = arith.andi %ge3A_615, %lt3A_617 : i1
    %convert_element_type3A_619 = arith.extui %and3A_618 : i1 to i32
    %cond3A_620 = arith.constant 0 : i32
    %cond3A_621 = arith.cmpi ne, %convert_element_type3A_619, %cond3A_620 : i32
    scf.if %cond3A_621 {
      %jit3A_645 = arith.constant 16 : i32
      %div3A = arith.divsi %sub3A_613, %jit3A_645 : i32
      %sign3A = arith.constant 0 : i32
      %sign3A_646 = arith.cmpi sgt, %sub3A_613, %sign3A : i32
      %sign3A_647 = arith.extui %sign3A_646 : i1 to i32
      %sign3A_648 = arith.constant 0 : i32
      %sign3A_649 = arith.cmpi slt, %sub3A_613, %sign3A_648 : i32
      %sign3A_650 = arith.extui %sign3A_649 : i1 to i32
      %sign3A_651 = arith.subi %sign3A_647, %sign3A_650 : i32
      %sign3A_652 = arith.constant 0 : i32
      %sign3A_653 = arith.cmpi sgt, %jit3A_645, %sign3A_652 : i32
      %sign3A_654 = arith.extui %sign3A_653 : i1 to i32
      %sign3A_655 = arith.constant 0 : i32
      %sign3A_656 = arith.cmpi slt, %jit3A_645, %sign3A_655 : i32
      %sign3A_657 = arith.extui %sign3A_656 : i1 to i32
      %sign3A_658 = arith.subi %sign3A_654, %sign3A_657 : i32
      %ne3A = arith.cmpi ne, %sign3A_651, %sign3A_658 : i32
      %rem3A = arith.remsi %sub3A_613, %jit3A_645 : i32
      %ne3A_659 = arith.constant 0 : i32
      %ne3A_660 = arith.cmpi ne, %rem3A, %ne3A_659 : i32
      %and3A_661 = arith.andi %ne3A, %ne3A_660 : i1
      %sub3A_662 = arith.constant 1 : i32
      %sub3A_663 = arith.subi %div3A, %sub3A_662 : i32
      %select_n3A_664 = arith.select %and3A_661, %sub3A_663, %div3A : i32
      %mul3A_665 = arith.constant 16 : i32
      %mul3A_666 = arith.muli %select_n3A_664, %mul3A_665 : i32
      %sub3A_667 = arith.subi %sub3A_613, %mul3A_666 : i32
      %get3A_668 = arith.index_cast %mul3A_666 : i32 to index
      %get3A_669 = tpu.vector_load %arg7[%get3A_668] {strides = array<i32>} : memref<32768xf32, #tpu.memory_space<vmem>>, vector<16xf32>,
      %eq3A_670 = vector.broadcast %sub3A_667 : i32 to vector<16xi32>
      %eq3A_671 = arith.cmpi eq, %iota3A, %eq3A_670 : vector<16xi32>
      %jit3A_672 = arith.constant 0.000000e+00 : f32
      %broadcast_in_dim3A_673 = vector.broadcast %jit3A_672 : f32 to vector<16xf32>
      %select_n3A_674 = arith.select %eq3A_671, %broadcast_in_dim3A_673, %get3A_669 : vector<16xi1>, vector<16xf32>
      %swap3A = arith.index_cast %mul3A_666 : i32 to index
      %swap3A_675 = tpu.vector_load %arg7[%swap3A] {strides = array<i32>} : memref<32768xf32, #tpu.memory_space<vmem>>, vector<16xf32>,
      tpu.vector_store %arg7[%swap3A], %select_n3A_674 {strides = array<i32>} : memref<32768xf32, #tpu.memory_space<vmem>>, vector<16xf32>,
    } else {
    }
    %add3A_622 = arith.constant 1 : i32
    %add3A_623 = arith.addi %reduce_max3A_12, %add3A_622 : i32
    %sub3A_624 = arith.subi %add3A_623, %add3A_610 : i32
    %ge3A_625 = arith.constant 0 : i32
    %ge3A_626 = arith.cmpi sge, %sub3A_624, %ge3A_625 : i32
    %lt3A_627 = arith.constant 32768 : i32
    %lt3A_628 = arith.cmpi slt, %sub3A_624, %lt3A_627 : i32
    %and3A_629 = arith.andi %ge3A_626, %lt3A_628 : i1
    %convert_element_type3A_630 = arith.extui %and3A_629 : i1 to i32
    %cond3A_631 = arith.constant 0 : i32
    %cond3A_632 = arith.cmpi ne, %convert_element_type3A_630, %cond3A_631 : i32
    scf.if %cond3A_632 {
      %jit3A_645 = arith.constant 16 : i32
      %div3A = arith.divsi %sub3A_624, %jit3A_645 : i32
      %sign3A = arith.constant 0 : i32
      %sign3A_646 = arith.cmpi sgt, %sub3A_624, %sign3A : i32
      %sign3A_647 = arith.extui %sign3A_646 : i1 to i32
      %sign3A_648 = arith.constant 0 : i32
      %sign3A_649 = arith.cmpi slt, %sub3A_624, %sign3A_648 : i32
      %sign3A_650 = arith.extui %sign3A_649 : i1 to i32
      %sign3A_651 = arith.subi %sign3A_647, %sign3A_650 : i32
      %sign3A_652 = arith.constant 0 : i32
      %sign3A_653 = arith.cmpi sgt, %jit3A_645, %sign3A_652 : i32
      %sign3A_654 = arith.extui %sign3A_653 : i1 to i32
      %sign3A_655 = arith.constant 0 : i32
      %sign3A_656 = arith.cmpi slt, %jit3A_645, %sign3A_655 : i32
      %sign3A_657 = arith.extui %sign3A_656 : i1 to i32
      %sign3A_658 = arith.subi %sign3A_654, %sign3A_657 : i32
      %ne3A = arith.cmpi ne, %sign3A_651, %sign3A_658 : i32
      %rem3A = arith.remsi %sub3A_624, %jit3A_645 : i32
      %ne3A_659 = arith.constant 0 : i32
      %ne3A_660 = arith.cmpi ne, %rem3A, %ne3A_659 : i32
      %and3A_661 = arith.andi %ne3A, %ne3A_660 : i1
      %sub3A_662 = arith.constant 1 : i32
      %sub3A_663 = arith.subi %div3A, %sub3A_662 : i32
      %select_n3A_664 = arith.select %and3A_661, %sub3A_663, %div3A : i32
      %mul3A_665 = arith.constant 16 : i32
      %mul3A_666 = arith.muli %select_n3A_664, %mul3A_665 : i32
      %sub3A_667 = arith.subi %sub3A_624, %mul3A_666 : i32
      %get3A_668 = arith.index_cast %mul3A_666 : i32 to index
      %get3A_669 = tpu.vector_load %arg7[%get3A_668] {strides = array<i32>} : memref<32768xf32, #tpu.memory_space<vmem>>, vector<16xf32>,
      %eq3A_670 = vector.broadcast %sub3A_667 : i32 to vector<16xi32>
      %eq3A_671 = arith.cmpi eq, %iota3A, %eq3A_670 : vector<16xi32>
      %jit3A_672 = arith.constant 0.000000e+00 : f32
      %broadcast_in_dim3A_673 = vector.broadcast %jit3A_672 : f32 to vector<16xf32>
      %select_n3A_674 = arith.select %eq3A_671, %broadcast_in_dim3A_673, %get3A_669 : vector<16xi1>, vector<16xf32>
      %swap3A = arith.index_cast %mul3A_666 : i32 to index
      %swap3A_675 = tpu.vector_load %arg7[%swap3A] {strides = array<i32>} : memref<32768xf32, #tpu.memory_space<vmem>>, vector<16xf32>,
      tpu.vector_store %arg7[%swap3A], %select_n3A_674 {strides = array<i32>} : memref<32768xf32, #tpu.memory_space<vmem>>, vector<16xf32>,
    } else {
    }
    %add3A_633 = arith.constant 491520 : i32
    %add3A_634 = arith.addi %mul3A_2, %add3A_633 : i32
    %dma_start3A_635 = tpu.memref_slice %arg4[%add3A_634] : memref<16777216xf32, #tpu.memory_space<hbm>> -> memref<32768xf32, #tpu.memory_space<hbm>>
    %dma_start3A_636 = tpu.memref_slice %arg4[%add3A_634] : memref<16777216xf32, #tpu.memory_space<hbm>> -> memref<32768xf32, #tpu.memory_space<hbm>>
    tpu.enqueue_dma source(%arg7 : memref<32768xf32, #tpu.memory_space<vmem>>) target(%dma_start3A_636 : memref<32768xf32, #tpu.memory_space<hbm>>) target_semaphore(%arg11 : memref<!tpu.dma_semaphore, #tpu.memory_space<semaphore_mem>>)
    %add3A_637 = arith.constant 491520 : i32
    %add3A_638 = arith.addi %mul3A_2, %add3A_637 : i32
    %dma_wait3A_639 = tpu.memref_slice %arg4[%add3A_638] : memref<16777216xf32, #tpu.memory_space<hbm>> -> memref<32768xf32, #tpu.memory_space<hbm>>
    %dma_wait3A_640 = tpu.memref_slice %arg4[%add3A_638] : memref<16777216xf32, #tpu.memory_space<hbm>> -> memref<32768xf32, #tpu.memory_space<hbm>>
    tpu.wait_dma2 semaphore(%arg11 : memref<!tpu.dma_semaphore, #tpu.memory_space<semaphore_mem>>) src(%arg7 : memref<32768xf32, #tpu.memory_space<vmem>>) dst(%dma_wait3A_640 : memref<32768xf32, #tpu.memory_space<hbm>>)
    %add3A_641 = arith.constant 458752 : i32
    %add3A_642 = arith.addi %mul3A_2, %add3A_641 : i32
    %dma_wait3A_643 = tpu.memref_slice %arg4[%add3A_642] : memref<16777216xf32, #tpu.memory_space<hbm>> -> memref<32768xf32, #tpu.memory_space<hbm>>
    %dma_wait3A_644 = tpu.memref_slice %arg4[%add3A_642] : memref<16777216xf32, #tpu.memory_space<hbm>> -> memref<32768xf32, #tpu.memory_space<hbm>>
    tpu.wait_dma2 semaphore(%arg10 : memref<!tpu.dma_semaphore, #tpu.memory_space<semaphore_mem>>) src(%arg6 : memref<32768xf32, #tpu.memory_space<vmem>>) dst(%dma_wait3A_644 : memref<32768xf32, #tpu.memory_space<hbm>>)
    return
  }
}

</mosaic_0001>

<sc_bundles>
// kernel: kernel.3.cloned.1.call-start
scs
__scs_entry_jumppad:
0x0: {  	(pc) =	sbr.rel $0x88, $3  }
0x1: {  	(tag) =	ssettag $0x0;
	lr =	simm.s32 $0x1  }
0x2: {  	[smem:$0x3F9F] =	sst lr;
	_ =	strace $0xD0000000  }
0x3: {  	_ = 	snop  }
0x4: {  	_ = 	snop  }
0x5: {  	_ = 	snop  }
0x6: {  	_ = 	snop  }
0x7: {  	_ = 	snop  }
__scs_overlays_trampoline_lowered:
0x8: {  	[smem:$0x3FAE] =	sst s0  }
0x9: {  	[smem:$0x3FAF] =	sst s1  }
0xa: {  	[smem:$0x3FB0] =	sst s2  }
0xb: {  	[smem:$0x3FB1] =	sst s3  }
0xc: {  	[smem:$0x3FB2] =	sst s4  }
0xd: {  	[smem:$0x3FB3] =	sst s5  }
0xe: {  	[smem:$0x3FB4] =	sst s6  }
0xf: {  	[smem:$0x3FB5] =	sst s7  }
0x10: {  	[smem:$0x3FB6] =	sst s8  }
0x11: {  	[smem:$0x3FB7] =	sst s9;
	s0 =	simm.s32 @!p0 $0x0  }
0x12: {  	s1 =	sld [smem:$0x3F9D];
	s0 =	simm.s32 @p0 $0x1  }
0x13: {  	[smem:$0x3FB8] =	sst s0;
	s0 =	simm.s32 @!p1 $0x0  }
0x14: {  	s2 =	sld [smem:$0x3F9C];
	s0 =	simm.s32 @p1 $0x1  }
0x15: {  	[smem:$0x3FB9] =	sst s0;
	s0 =	simm.s32 @!p2 $0x0  }
0x16: {  	s3 =	sld [smem:$0x3FDB];
	s0 =	simm.s32 @p2 $0x1  }
0x17: {  	s4 =	simm.s32 $0x1BF5;
	[smem:$0x3FBB] =	sst s0  }
0x18: {  	s0 =	sld [smem:$0x3F9E];
	_ =	swait.ge [sflag:s4], $0x0  }
0x19: {  	s7 =	sld [smem:$0x3F9F]  }
0x1a: {  	s8 =	sadd.s32 $0xFFFFE003, lr  }
0x1b: {  	s9 =	sadd.s32 $0xFFFFFEF7, lr;
	s5 =	simm.s32 $0xFFFFFFFF;
	p2 =	slt.u32 s8, $0xFFFFF086  }
0x1c: {  	p1 =	slt.u32 s9, $0xF7A;
	s5 =	simm.s32 @!p2 $0x0  }
0x1d: {  	s5 =	simm.s32 @p1 $0x1;
	p0 =	seq.s32 s7, s2  }
0x1e: {  	s7 =	smul.u32 @!p0 $0xF7A, s2;
	p2 =	seq.s32 @!p0 s5, $0x0  }
0x1f: {  	s9 =	smul.u32 $0xF7A, s1;
	s8 =	simm.s32 @!p0 $0x1BF5;
	p2 =	por !p2, p0  }
0x20: {  	[sflag:s8] =	ssyncset.s32 @!p0 $0xFFFFF086;
	s6 =	sadd.s32 @!p0 s3, s7;
	s7 =	simm.s32 @!p0 $0x108  }
0x21: {  	s3 =	sadd.s32 s3, s9;
	s6 =	sadd.s32 @!p0 $0x88, s6;
	s7 =	simm.s32 @p2 $0x1082  }
0x22: {  	[simem:s7], [sflag:s8] =	dma.local @!p0 [hbm:s6], $0xF7A  }
0x23: {  	s9 =	sor.u32 $0xD0000000, s2;
	s6 =	simm.s32 $0x108;
	_ =	swait.ge @!p0 [sflag:s8], $0x0  }
0x24: {  	s3 =	sadd.s32 $0x88, s3;
	s6 =	simm.s32 @!p1 $0x1082;
	[sflag:s4] =	ssyncset.s32 $0xFFFFF086  }
0x25: {  	[simem:s6], [sflag:s4] =	dma.local [hbm:s3], $0xF7A  }
0x26: {  	[smem:$0x3F9F] =	sst s1;
	(tag) =	ssettag s2;
	_ =	strace s9  }
0x27: {  	s1 =	sld [smem:$0x3FAF]  }
0x28: {  	s2 =	sld [smem:$0x3FB0]  }
0x29: {  	s4 =	sld [smem:$0x3FB2]  }
0x2a: {  	p0 =	seq.s32 s5, $0x0;
	s5 =	sld [smem:$0x3FB3]  }
0x2b: {  	s6 =	sld [smem:$0x3FB4]  }
0x2c: {  	s7 =	sld [smem:$0x3FB5]  }
0x2d: {  	s3 =	simm.s32 $0x108;
	s8 =	sld [smem:$0x3FB6]  }
0x2e: {  	s3 =	simm.s32 @!p0 $0x1082;
	s9 =	sld [smem:$0x3FB7]  }
0x2f: {  	lr =	sadd.s32 s0, s3;
	s0 =	sld [smem:$0x3FAE]  }
0x30: {  	s3 =	sld [smem:$0x3FB1]  }
0x31: {  	[smem:$0x3FBA] =	sst s10  }
0x32: {  	s10 =	sld [smem:$0x3FB8];
	_ =	sdelay $0x3  }
0x33: {  	p0 =	seq.s32 s10, $0x1;
	s10 =	sld [smem:$0x3FBA];
	_ =	sdelay $0x3  }
0x34: {  	[smem:$0x3FBA] =	sst s10  }
0x35: {  	s10 =	sld [smem:$0x3FB9];
	_ =	sdelay $0x3  }
0x36: {  	p1 =	seq.s32 s10, $0x1;
	s10 =	sld [smem:$0x3FBA];
	_ =	sdelay $0x3  }
0x37: {  	[smem:$0x3FBA] =	sst s10  }
0x38: {  	s10 =	sld [smem:$0x3FBB]  }
0x39: {  	_ = 	snop;
	(pc) =	sbr.ind lr, $3  }
0x3a: {  	_ = 	snop  }
0x3b: {  	_ = 	snop  }
0x3c: {  	p2 =	seq.s32 s10, $0x1;
	s10 =	sld [smem:$0x3FBA]  }
0x3d: {  	_ =	shalt  }
0x3e: {  	_ =	shalt  }
0x3f: {  	_ =	shalt  }
0x40: {  	_ =	shalt  }
0x41: {  	_ =	shalt  }
0x42: {  	_ =	shalt  }
0x43: {  	_ =	shalt  }
0x44: {  	_ =	shalt  }
0x45: {  	_ =	shalt  }
0x46: {  	_ =	shalt  }
0x47: {  	_ =	shalt  }
0x48: {  	_ =	shalt  }
0x49: {  	_ =	shalt  }
0x4a: {  	_ =	shalt  }
0x4b: {  	_ =	shalt  }
0x4c: {  	_ =	shalt  }
0x4d: {  	_ =	shalt  }
0x4e: {  	_ =	shalt  }
0x4f: {  	_ =	shalt  }
0x50: {  	_ =	shalt  }
0x51: {  	_ =	shalt  }
0x52: {  	_ =	shalt  }
0x53: {  	_ =	shalt  }
0x54: {  	_ =	shalt  }
0x55: {  	_ =	shalt  }
0x56: {  	_ =	shalt  }
0x57: {  	_ =	shalt  }
0x58: {  	_ =	shalt  }
0x59: {  	_ =	shalt  }
0x5a: {  	_ =	shalt  }
0x5b: {  	_ =	shalt  }
0x5c: {  	_ =	shalt  }
0x5d: {  	_ =	shalt  }
0x5e: {  	_ =	shalt  }
0x5f: {  	_ =	shalt  }
0x60: {  	_ =	shalt  }
0x61: {  	_ =	shalt  }
0x62: {  	_ =	shalt  }
0x63: {  	_ =	shalt  }
0x64: {  	_ =	shalt  }
0x65: {  	_ =	shalt  }
0x66: {  	_ =	shalt  }
0x67: {  	_ =	shalt  }
0x68: {  	_ =	shalt  }
0x69: {  	_ =	shalt  }
0x6a: {  	_ =	shalt  }
0x6b: {  	_ =	shalt  }
0x6c: {  	_ =	shalt  }
0x6d: {  	_ =	shalt  }
0x6e: {  	_ =	shalt  }
0x6f: {  	_ =	shalt  }
0x70: {  	_ =	shalt  }
0x71: {  	_ =	shalt  }
0x72: {  	_ =	shalt  }
0x73: {  	_ =	shalt  }
0x74: {  	_ =	shalt  }
0x75: {  	_ =	shalt  }
0x76: {  	_ =	shalt  }
0x77: {  	_ =	shalt  }
0x78: {  	_ =	shalt  }
0x79: {  	_ =	shalt  }
0x7a: {  	_ =	shalt  }
0x7b: {  	_ =	shalt  }
0x7c: {  	_ =	shalt  }
0x7d: {  	_ =	shalt  }
0x7e: {  	_ =	shalt  }
0x7f: {  	_ =	shalt  }
0x80: {  	_ =	shalt  }
0x81: {  	_ =	shalt  }
0x82: {  	_ =	shalt  }
0x83: {  	_ =	shalt  }
0x84: {  	_ =	shalt  }
0x85: {  	_ =	shalt  }
0x86: {  	_ =	shalt  }
0x87: {  	_ =	shalt  }
.Lfunc_end0:
.L_simem_size_0:
called_computation_lowered:
.L_overlay_start_0:
0x88: {  	s2 =	sld [smem:$0x3FD9]  }
0x89: {  	s3 =	sld [smem:$0x3FFE];
	_ =	sdelay $0x1  }
0x8a: {  	s1 =	srdreg.scid  }
0x8b: {  	s0 =	sand.u32 $0x1, s1  }
0x8c: {  	s18 =	sshll.u32 s0, $0xA;
	s2 =	sadd.s32 s3, s2  }
0x8d: {  	s2 =	sadd.s32 s2, s18  }
0x8e: {  	[smem:$0x3FC6] =	sst s2  }
0x8f: {  	_ = 	snop  }
0x90: {  	s2 =	sld [smem:$0x3FC9]  }
0x91: {  	s19 =	sld [smem:$0x3FC8]  }
0x92: {  	s4 =	sld [smem:$0x3FD0];
	(tm) =	ssettm $0x1  }
0x93: {  	s5 =	sld [smem:$0x3FFB];
	_ =	sdelay $0x3  }
0x94: {  	_ =	strace s5  }
0x95: {  	s5 =	sld [smem:$0x3FFC];
	_ =	sdelay $0x3  }
0x96: {  	_ =	strace s5  }
0x97: {  	s5 =	sld [smem:$0x3FFD];
	_ =	sdelay $0x3  }
0x98: {  	_ =	strace s5  }
0x99: {  	_ =	strace $0x8FFFFFFF  }
0x9a: {  	s20 =	sld [smem:$0x3FDB];
	_ =	sdelay $0x1  }
0x9b: {  	s6 =	simm.s32 $_scs_section_size  }
0x9c: {  	s7 =	simm.s32 $_size__tile_overlayer_lowered;
	s8 =	simm.s32 $_tile_overlayer_lowered  }
0x9d: {  	s23 =	simm.s32 $0x1BFF;
	s22 =	sshll.u32 s8, $0x1;
	s5 =	sadd.s32 s6, s20  }
0x9e: {  	s9 =	simm.s32 $0x0;
	s21 =	sshll.u32 s7, $0x1;
	s7 =	sadd.s32 s22, s5  }
0x9f: {  	[timem:s9], [sflag:s23] =	dma.local [hbm:s7], s21  }
0xa0: {  	_ =	swait.ge [sflag:s23], s21  }
0xa1: {  	s6 =	ssub.s32 $0x0, s21;
	[sflag:s23] =	ssyncset.done $0x0  }
0xa2: {  	[sflag:s23] =	ssyncadd.s32 s6;
	_ =	sdelay $0x1  }
0xa3: {  	s24 =	simm.s32 $0x1B8B  }
0xa4: {  	_ =	swait.ge [sflag:s24], $0x1  }
0xa5: {  	[sflag:s24] =	ssyncset.done $0x0  }
0xa6: {  	s25 =	simm.s32 $0x1B8E;
	[sflag:s24] =	ssyncadd.s32 $0xFFFFFFFF  }
0xa7: {  	s26 =	simm.s32 $execute0_lowered;
	[smem:$0x3FD2] =	sst s25  }
0xa8: {  	s6 =	sshll.u32 s26, $0x1;
	_ =	strace $0x80000046;
	[dreg:$0x1] =	wrdreg $0xFFFFFFFF  }
0xa9: {  	s28 =	simm.s32 $_size_execute0_lowered;
	s5 =	sadd.s32 s5, s6;
	[dreg:$0x0] =	wrdreg $0x0  }
0xaa: {  	s6 =	sshll.u32 s28, $0x1;
	[dreg:$0x2] =	wrdreg s5  }
0xab: {  	[dreg:$0x3] =	wrdreg s6  }
0xac: {  	[dreg:$0x4] =	wrdreg $0xC0  }
0xad: {  	_ =	task [dreg:s9], $0x5FFFF  }
0xae: {  	[dreg:$0x1] =	wrdreg $0xFFFFFFFF  }
0xaf: {  	[dreg:$0x0] =	wrdreg $0x60  }
0xb0: {  	[dreg:$0x2] =	wrdreg s2  }
0xb1: {  	[dreg:$0x3] =	wrdreg s19  }
0xb2: {  	[dreg:$0x4] =	wrdreg s4  }
0xb3: {  	[dreg:$0x5] =	wrdreg $0x9  }
0xb4: {  	_ =	task.clear_ibuf [dreg:s9], $0x6FFFF;
	_ =	strace $0x90000046  }
0xb5: {  	s29 =	simm.s32 $0x9;
	_ =	strace $0x80000048  }
0xb6: {  	_ =	swait.ge [sflag:s29], $0x1  }
0xb7: {  	[sflag:s29] =	ssyncadd.s32 $0xFFFFFFFF  }
0xb8: {  	_ =	strace $0x90000048  }
0xb9: {  	_ =	sfence  }
0xba: {  	s30 =	sld [smem:$0x0];
	_ =	sdelay $0x2  }
0xbb: {  	s31 =	sshll.u32 s1, $0xD;
	s1 =	sshrl.u32 s1, $0x2  }
0xbc: {  	s3 =	sand.u32 $0x4000, s31;
	s1 =	sadd.s32 s1, s30  }
0xbd: {  	s0 =	sor.u32 s3, s0;
	s1 =	sshll.u32 s1, $0x11  }
0xbe: {  	s0 =	sor.u32 s1, s0  }
0xbf: {  	s0 =	sadd.s32 $0x8F2B, s0  }
0xc0: {  	[sflag:s0] =	ssyncadd.remote.s32 $0x1  }
0xc1: {  	_ =	sfence.sel $0xFFFF  }
0xc2: {  	[dreg:$0x0] =	wrdreg $0xFFFFFFFF;
	(pc) =	sbr.abs _section_cstart, $3  }
0xc3: {  	[dreg:$0x1] =	wrdreg $0xFFFFFFFF  }
0xc4: {  	_ =	task.clear_ibuf [dreg:s9], $0x2FFFF;
	_ =	strace $0x9FFFFFFF  }
0xc5: {  	(tm) =	ssettm $0x7FFFFFFF  }
tec
execute0_lowered:
.L_overlay_start_1:
0x0: {  	(tag) =	ssettag $0x1  }
0x1: {  	s19 =	rddreg [dreg:$0x0]  }
0x2: {  	s0 =	rddreg [dreg:$0x1]  }
0x3: {  	s1 =	srdreg.scid;
	s10 =	stileid.u32  }
0x4: {  	s2 =	simm.s32 $0x0;
	[dreg:$0x4] =	wrdreg s0;
	s21 =	sand.u32 $0x1, s1  }
0x5: {  	s3 =	sshll.u32 s10, $0x14;
	[smem:$0x7FF] =	sst s2;
	s4 =	sshll.u32 s21, $0x13  }
0x6: {  	s20 =	rddreg [dreg:$0x2];
	_ =	strace $0x80000047;
	s3 =	sor.u32 s4, s3  }
0x7: {  	s21 =	ssub.s32 $0x2, s21;
	s6 =	sshrl.u32 s3, $0x3;
	s4 =	sor.u32 $0x8000, s3  }
0x8: {  	s29 =	sshrl.u32 s21, $0x1;
	s5 =	sadd.s32 s19, s6;
	s7 =	sshrl.u32 s4, $0x3  }
0x9: {  	s6 =	sadd.s32 s20, s6;
	[dreg:$0x5] =	wrdreg s5;
	s8 =	sadd.s32 s19, s7  }
0xa: {  	s5 =	sor.u32 $0x10000, s3;
	[dreg:$0x7] =	wrdreg s6;
	s6 =	sor.u32 $0x18000, s3  }
0xb: {  	s7 =	sadd.s32 s20, s7;
	[dreg:$0x6] =	wrdreg s8;
	s11 =	sshrl.u32 s5, $0x3  }
0xc: {  	s12 =	sshrl.u32 s6, $0x3;
	[dreg:$0x9] =	wrdreg s7;
	s9 =	sadd.s32 s19, s11  }
0xd: {  	s7 =	sor.u32 $0x20000, s3;
	s10 =	sadd.s32 s19, s12;
	[dreg:$0x8] =	wrdreg s9  }
0xe: {  	s8 =	sadd.s32 s20, s11;
	s13 =	sshrl.u32 s7, $0x3;
	[dreg:$0xa] =	wrdreg s10  }
0xf: {  	[dreg:$0xb] =	wrdreg s8;
	s11 =	sadd.s32 s19, s13;
	s8 =	sor.u32 $0x28000, s3  }
0x10: {  	s9 =	sadd.s32 s20, s12;
	s10 =	sadd.s32 s20, s13;
	[dreg:$0xc] =	wrdreg s11  }
0x11: {  	s14 =	sshrl.u32 s8, $0x3;
	[dreg:$0xd] =	wrdreg s9;
	s9 =	sor.u32 $0x30000, s3  }
0x12: {  	[dreg:$0xf] =	wrdreg s10;
	s10 =	sor.u32 $0x38000, s3;
	s12 =	sadd.s32 s19, s14  }
0x13: {  	s15 =	sshrl.u32 s9, $0x3;
	s11 =	sadd.s32 s20, s14;
	[dreg:$0xe] =	wrdreg s12  }
0x14: {  	s16 =	sshrl.u32 s10, $0x3;
	s13 =	sadd.s32 s19, s15;
	[dreg:$0x11] =	wrdreg s11  }
0x15: {  	s21 =	ssub.s32 s21, s29;
	s14 =	sadd.s32 s19, s16;
	[dreg:$0x10] =	wrdreg s13  }
0x16: {  	s11 =	sor.u32 $0x40000, s3;
	s12 =	sadd.s32 s20, s15;
	[dreg:$0x12] =	wrdreg s14  }
0x17: {  	s17 =	sshrl.u32 s11, $0x3;
	[dreg:$0x13] =	wrdreg s12;
	s12 =	sor.u32 $0x48000, s3  }
0x18: {  	s13 =	sadd.s32 s20, s16;
	s15 =	sadd.s32 s19, s17;
	s18 =	sshrl.u32 s12, $0x3  }
0x19: {  	[dreg:$0x15] =	wrdreg s13;
	s13 =	sor.u32 $0x50000, s3;
	s14 =	sadd.s32 s20, s17  }
0x1a: {  	[dreg:$0x14] =	wrdreg s15;
	s16 =	sadd.s32 s19, s18;
	s22 =	sshrl.u32 s13, $0x3  }
0x1b: {  	[dreg:$0x17] =	wrdreg s14;
	s14 =	sor.u32 $0x58000, s3;
	s15 =	sadd.s32 s20, s18  }
0x1c: {  	[dreg:$0x16] =	wrdreg s16;
	s17 =	sadd.s32 s19, s22;
	s23 =	sshrl.u32 s14, $0x3  }
0x1d: {  	[dreg:$0x19] =	wrdreg s15;
	s15 =	sor.u32 $0x60000, s3;
	s16 =	sadd.s32 s20, s22  }
0x1e: {  	[dreg:$0x18] =	wrdreg s17;
	s18 =	sadd.s32 s19, s23;
	s24 =	sshrl.u32 s15, $0x3  }
0x1f: {  	[dreg:$0x1b] =	wrdreg s16;
	s16 =	sor.u32 $0x68000, s3;
	s17 =	sadd.s32 s20, s23  }
0x20: {  	[dreg:$0x1a] =	wrdreg s18;
	s22 =	sadd.s32 s19, s24;
	s25 =	sshrl.u32 s16, $0x3  }
0x21: {  	[dreg:$0x1d] =	wrdreg s17;
	s17 =	sor.u32 $0x70000, s3;
	s18 =	sadd.s32 s20, s24  }
0x22: {  	[dreg:$0x1c] =	wrdreg s22;
	s23 =	sadd.s32 s19, s25;
	s26 =	sshrl.u32 s17, $0x3  }
0x23: {  	[dreg:$0x1f] =	wrdreg s18;
	s18 =	sor.u32 $0x78000, s3;
	s22 =	sadd.s32 s20, s25  }
0x24: {  	s25 =	simm.s32 $0x3;
	[dreg:$0x1e] =	wrdreg s23;
	s24 =	sadd.s32 s19, s26  }
0x25: {  	s28 =	sshrl.u32 s18, $0x3;
	[smem:$0x7FA] =	sst s22;
	s30 =	sadd.s32 s20, s26  }
0x26: {  	s22 =	simm.s32 $0x1;
	s23 =	simm.s32 $0x8080;
	[smem:$0x7F9] =	sst s24  }
0x27: {  	s26 =	simm.s32 $0x4;
	s19 =	sadd.s32 s19, s28;
	[smem:$0x7FC] =	sst s30  }
0x28: {  	s31 =	sadd.s32 s20, s28;
	s24 =	simm.s32 $0x2;
	[smem:$0x7FB] =	sst s19  }
0x29: {  	vm0 =	vmmov $0x1;
	[smem:$0x7FD] =	sst s31;
	s19 =	smax.u32 s21, $0x1;
	s21 =	simm.s32 $0x80  }
.LBB2_1:
0x2a: {  	s28 =	rddreg [dreg:$0x4];
	s0 =	simm.s32 $0x5  }
0x2b: {  	[tilespmem:s2], [sflag:$0x5] =	stream.linear.gather [hbm4b:s28+s2], $0x1, $0x38;
	[tilespmem:$0x10080] =	vst v63  }
0x2c: {  	_ =	swait.ge [sflag:s0], $0x1  }
0x2d: {  	[sflag:s0] =	ssyncset.done $0x0  }
0x2e: {  	[sflag:s0] =	ssyncadd.s32 $0xFFFFFFFF  }
0x2f: {  	v0 =	vld [tilespmem:$0x0];
	_ =	sdelay $0x4  }
0x30: {  	v0 =	vnsel vm0, $0x80000001, v0  }
0x31: {  	v0 =	vxor.u32 $0x80000000, v0  }
0x32: {  	(xrf0) =	vmax.scan.msk.u32 $0xffff, v0;
	_ =	sdelay $0x5  }
0x33: {  	v0, _, _ =	vpop (xrf0)  }
0x34: {  	(v2sf) =	vpush v0, $0xF;
	_ =	sdelay $0xc  }
0x35: {  	s29 =	rddreg [dreg:$0x5]  }
0x36: {  	[tilespmem:s21], [sflag:$0x1] =	stream.linear.gather [hbm4b:s29+s2], $0x8000, $0x38;
	[tilespmem:$0x10080] =	vst v63  }
0x37: {  	s28 =	spop (v2sf)  }
0x38: {  	_ =	swait.ge [sflag:s22], $0x8000;
	s30 =	sxor.u32 $0x80000000, s28  }
0x39: {  	[sflag:s22] =	ssyncset.done $0x0;
	s31 =	ssub.s32 s30, s3  }
0x3a: {  	s20 =	rddreg [dreg:$0x6];
	[sflag:s22] =	ssyncadd.s32 $0xFFFF8000;
	p0 =	sgt.u32 s31, $0x7FFF  }
0x3b: {  	[tilespmem:s23], [sflag:$0x2] =	stream.linear.gather [hbm4b:s20+s2], $0x8000, $0x38;
	[tilespmem:$0x10080] =	vst v63  }
0x3c: {  	s29 =	sand.u32 @!p0 $0xF, s28  }
0x3d: {  	p1 =	seq.s32 @!p0 s30, s3;
	p2 =	sne.s32 @!p0 s29, $0x0  }
0x3e: {  	p1 =	por @!p0 !p1, !p2  }
0x3f: {  	p1 =	por @!p0 !p1, !p1  }
0x40: {  	s1 =	simm.s32 @!p0 $0xFFFFFFFF;
	s29 =	sadd.s32 $0x80000001, s28;
	p1 =	por !p1, p0  }
0x41: {  	s0 =	ssub.s32 s29, s3;
	s1 =	simm.s32 @p1 $0x0  }
0x42: {  	p1 =	sgt.u32 s0, $0x7FFF;
	s1 =	sshll.u32 @!p0 s1, $0x4  }
0x43: {  	s20 =	sand.u32 @!p1 $0xF, s29;
	s1 =	sadd.s32 @!p0 s31, s1  }
0x44: {  	p2 =	seq.s32 @!p1 s29, s3;
	p3 =	sne.s32 @!p1 s20, $0x0;
	s1 =	sand.u32 @!p0 $0xFFFFFFF0, s1  }
0x45: {  	p2 =	por @!p1 !p2, !p3;
	v0 =	vld @!p0 [tilespmem:s1+$0x80]  }
0x46: {  	p2 =	por @!p1 !p2, !p2  }
0x47: {  	s20 =	ssub.s32 @!p0 s31, s1;
	s31 =	simm.s32 @!p1 $0xFFFFFFFF;
	p2 =	por !p2, p1  }
0x48: {  	v2 =	vlaneseq.u32 @!p0;
	v1 =	vmov @!p0 s20;
	s31 =	simm.s32 @p2 $0x0  }
0x49: {  	vm1 =	veq.s32 @!p0 v1, v2;
	s20 =	sshll.u32 @!p1 s31, $0x4  }
0x4a: {  	s20 =	sadd.s32 @!p1 s0, s20;
	v0 =	vsel @!p0 vm1, $0x0, v0  }
0x4b: {  	[tilespmem:s1+$0x80] =	vst @!p0 v0;
	s1 =	sand.u32 @!p1 $0xFFFFFFF0, s20  }
0x4c: {  	v0 =	vld @!p1 [tilespmem:s1+$0x80];
	_ =	sdelay $0x1  }
0x4d: {  	s0 =	ssub.s32 @!p1 s0, s1  }
0x4e: {  	v2 =	vlaneseq.u32 @!p1;
	v1 =	vmov @!p1 s0  }
0x4f: {  	vm1 =	veq.s32 @!p1 v1, v2  }
0x50: {  	v0 =	vsel @!p1 vm1, $0x0, v0  }
0x51: {  	s31 =	rddreg [dreg:$0x7];
	s0 =	ssub.s32 s30, s4;
	[tilespmem:s1+$0x80] =	vst @!p1 v0  }
0x52: {  	[hbm4b:s31+s2] =	stream.linear.scatter [tilespmem:s21], [sflag:$0x3], $0x8000, $0x38;
	[tilespmem:$0x10080] =	vst v63  }
0x53: {  	p0 =	sgt.u32 s0, $0x7FFF;
	_ =	swait.ge [sflag:s24], $0x8000  }
0x54: {  	s1 =	sand.u32 @!p0 $0xF, s28;
	[sflag:s24] =	ssyncset.done $0x0  }
0x55: {  	p1 =	seq.s32 @!p0 s30, s4;
	p2 =	sne.s32 @!p0 s1, $0x0;
	[sflag:s24] =	ssyncadd.s32 $0xFFFF8000  }
0x56: {  	p1 =	por @!p0 !p1, !p2;
	_ =	swait.ge [sflag:s25], $0x8000  }
0x57: {  	s1 =	simm.s32 @!p0 $0xFFFFFFFF;
	p1 =	por @!p0 !p1, !p1;
	[sflag:s25] =	ssyncset.done $0x0  }
0x58: {  	p1 =	por !p1, p0;
	s20 =	rddreg [dreg:$0x8];
	[sflag:s25] =	ssyncadd.s32 $0xFFFF8000  }
0x59: {  	[tilespmem:s21], [sflag:$0x1] =	stream.linear.gather [hbm4b:s20+s2], $0x8000, $0x38;
	[tilespmem:$0x10080] =	vst v63  }
0x5a: {  	s1 =	simm.s32 @p1 $0x0;
	s20 =	ssub.s32 s29, s4  }
0x5b: {  	s1 =	sshll.u32 @!p0 s1, $0x4;
	p1 =	sgt.u32 s20, $0x7FFF  }
0x5c: {  	s1 =	sadd.s32 @!p0 s0, s1;
	s31 =	sand.u32 @!p1 $0xF, s29  }
0x5d: {  	s1 =	sand.u32 @!p0 $0xFFFFFFF0, s1;
	p2 =	seq.s32 @!p1 s29, s4;
	p3 =	sne.s32 @!p1 s31, $0x0  }
0x5e: {  	v0 =	vld @!p0 [tilespmem:s1+$0x8080];
	p2 =	por @!p1 !p2, !p3  }
0x5f: {  	p2 =	por @!p1 !p2, !p2  }
0x60: {  	s0 =	ssub.s32 @!p0 s0, s1;
	s31 =	simm.s32 @!p1 $0xFFFFFFFF;
	p2 =	por !p2, p1  }
0x61: {  	v2 =	vlaneseq.u32 @!p0;
	v1 =	vmov @!p0 s0;
	s31 =	simm.s32 @p2 $0x0  }
0x62: {  	vm1 =	veq.s32 @!p0 v1, v2;
	s0 =	sshll.u32 @!p1 s31, $0x4  }
0x63: {  	v0 =	vsel @!p0 vm1, $0x0, v0;
	s0 =	sadd.s32 @!p1 s20, s0  }
0x64: {  	[tilespmem:s1+$0x8080] =	vst @!p0 v0;
	s0 =	sand.u32 @!p1 $0xFFFFFFF0, s0  }
0x65: {  	v0 =	vld @!p1 [tilespmem:s0+$0x8080];
	_ =	sdelay $0x1  }
0x66: {  	s1 =	ssub.s32 @!p1 s20, s0  }
0x67: {  	v2 =	vlaneseq.u32 @!p1;
	v1 =	vmov @!p1 s1  }
0x68: {  	vm1 =	veq.s32 @!p1 v1, v2  }
0x69: {  	v0 =	vsel @!p1 vm1, $0x0, v0  }
0x6a: {  	s31 =	rddreg [dreg:$0x9];
	[tilespmem:s0+$0x8080] =	vst @!p1 v0;
	s0 =	ssub.s32 s30, s5  }
0x6b: {  	[hbm4b:s31+s2] =	stream.linear.scatter [tilespmem:s23], [sflag:$0x4], $0x8000, $0x38;
	[tilespmem:$0x10080] =	vst v63  }
0x6c: {  	p0 =	sgt.u32 s0, $0x7FFF;
	_ =	swait.ge [sflag:s22], $0x8000  }
0x6d: {  	s1 =	sand.u32 @!p0 $0xF, s28;
	[sflag:s22] =	ssyncset.done $0x0  }
0x6e: {  	p1 =	seq.s32 @!p0 s30, s5;
	p2 =	sne.s32 @!p0 s1, $0x0;
	[sflag:s22] =	ssyncadd.s32 $0xFFFF8000  }
0x6f: {  	p1 =	por @!p0 !p1, !p2;
	_ =	swait.ge [sflag:s26], $0x8000  }
0x70: {  	s1 =	simm.s32 @!p0 $0xFFFFFFFF;
	p1 =	por @!p0 !p1, !p1;
	[sflag:s26] =	ssyncset.done $0x0  }
0x71: {  	s20 =	rddreg [dreg:$0xa];
	p1 =	por !p1, p0;
	[sflag:s26] =	ssyncadd.s32 $0xFFFF8000  }
0x72: {  	[tilespmem:s23], [sflag:$0x2] =	stream.linear.gather [hbm4b:s20+s2], $0x8000, $0x38;
	[tilespmem:$0x10080] =	vst v63  }
0x73: {  	s1 =	simm.s32 @p1 $0x0;
	s20 =	ssub.s32 s29, s5  }
0x74: {  	s1 =	sshll.u32 @!p0 s1, $0x4;
	p1 =	sgt.u32 s20, $0x7FFF  }
0x75: {  	s1 =	sadd.s32 @!p0 s0, s1;
	s31 =	sand.u32 @!p1 $0xF, s29  }
0x76: {  	s1 =	sand.u32 @!p0 $0xFFFFFFF0, s1;
	p2 =	seq.s32 @!p1 s29, s5;
	p3 =	sne.s32 @!p1 s31, $0x0  }
0x77: {  	v0 =	vld @!p0 [tilespmem:s1+$0x80];
	p2 =	por @!p1 !p2, !p3  }
0x78: {  	p2 =	por @!p1 !p2, !p2  }
0x79: {  	s0 =	ssub.s32 @!p0 s0, s1;
	s31 =	simm.s32 @!p1 $0xFFFFFFFF;
	p2 =	por !p2, p1  }
0x7a: {  	v2 =	vlaneseq.u32 @!p0;
	v1 =	vmov @!p0 s0;
	s31 =	simm.s32 @p2 $0x0  }
0x7b: {  	vm1 =	veq.s32 @!p0 v1, v2;
	s0 =	sshll.u32 @!p1 s31, $0x4  }
0x7c: {  	v0 =	vsel @!p0 vm1, $0x0, v0;
	s0 =	sadd.s32 @!p1 s20, s0  }
0x7d: {  	[tilespmem:s1+$0x80] =	vst @!p0 v0;
	s0 =	sand.u32 @!p1 $0xFFFFFFF0, s0  }
0x7e: {  	v0 =	vld @!p1 [tilespmem:s0+$0x80];
	_ =	sdelay $0x1  }
0x7f: {  	s1 =	ssub.s32 @!p1 s20, s0  }
0x80: {  	v2 =	vlaneseq.u32 @!p1;
	v1 =	vmov @!p1 s1  }
0x81: {  	vm1 =	veq.s32 @!p1 v1, v2  }
0x82: {  	v0 =	vsel @!p1 vm1, $0x0, v0  }
0x83: {  	s31 =	rddreg [dreg:$0xb];
	[tilespmem:s0+$0x80] =	vst @!p1 v0;
	s0 =	ssub.s32 s30, s6  }
0x84: {  	[hbm4b:s31+s2] =	stream.linear.scatter [tilespmem:s21], [sflag:$0x3], $0x8000, $0x38;
	[tilespmem:$0x10080] =	vst v63  }
0x85: {  	p0 =	sgt.u32 s0, $0x7FFF;
	_ =	swait.ge [sflag:s24], $0x8000  }
0x86: {  	s1 =	sand.u32 @!p0 $0xF, s28;
	[sflag:s24] =	ssyncset.done $0x0  }
0x87: {  	p1 =	seq.s32 @!p0 s30, s6;
	p2 =	sne.s32 @!p0 s1, $0x0;
	[sflag:s24] =	ssyncadd.s32 $0xFFFF8000  }
0x88: {  	p1 =	por @!p0 !p1, !p2;
	_ =	swait.ge [sflag:s25], $0x8000  }
0x89: {  	s1 =	simm.s32 @!p0 $0xFFFFFFFF;
	p1 =	por @!p0 !p1, !p1;
	[sflag:s25] =	ssyncset.done $0x0  }
0x8a: {  	s20 =	rddreg [dreg:$0xc];
	p1 =	por !p1, p0;
	[sflag:s25] =	ssyncadd.s32 $0xFFFF8000  }
0x8b: {  	[tilespmem:s21], [sflag:$0x1] =	stream.linear.gather [hbm4b:s20+s2], $0x8000, $0x38;
	[tilespmem:$0x10080] =	vst v63  }
0x8c: {  	s1 =	simm.s32 @p1 $0x0;
	s20 =	ssub.s32 s29, s6  }
0x8d: {  	s1 =	sshll.u32 @!p0 s1, $0x4;
	p1 =	sgt.u32 s20, $0x7FFF  }
0x8e: {  	s1 =	sadd.s32 @!p0 s0, s1;
	s31 =	sand.u32 @!p1 $0xF, s29  }
0x8f: {  	s1 =	sand.u32 @!p0 $0xFFFFFFF0, s1;
	p2 =	seq.s32 @!p1 s29, s6;
	p3 =	sne.s32 @!p1 s31, $0x0  }
0x90: {  	v0 =	vld @!p0 [tilespmem:s1+$0x8080];
	p2 =	por @!p1 !p2, !p3  }
0x91: {  	p2 =	por @!p1 !p2, !p2  }
0x92: {  	s0 =	ssub.s32 @!p0 s0, s1;
	s31 =	simm.s32 @!p1 $0xFFFFFFFF;
	p2 =	por !p2, p1  }
0x93: {  	v2 =	vlaneseq.u32 @!p0;
	v1 =	vmov @!p0 s0;
	s31 =	simm.s32 @p2 $0x0  }
0x94: {  	vm1 =	veq.s32 @!p0 v1, v2;
	s0 =	sshll.u32 @!p1 s31, $0x4  }
0x95: {  	v0 =	vsel @!p0 vm1, $0x0, v0;
	s0 =	sadd.s32 @!p1 s20, s0  }
0x96: {  	[tilespmem:s1+$0x8080] =	vst @!p0 v0;
	s0 =	sand.u32 @!p1 $0xFFFFFFF0, s0  }
0x97: {  	v0 =	vld @!p1 [tilespmem:s0+$0x8080];
	_ =	sdelay $0x1  }
0x98: {  	s1 =	ssub.s32 @!p1 s20, s0  }
0x99: {  	v2 =	vlaneseq.u32 @!p1;
	v1 =	vmov @!p1 s1  }
0x9a: {  	vm1 =	veq.s32 @!p1 v1, v2  }
0x9b: {  	v0 =	vsel @!p1 vm1, $0x0, v0  }
0x9c: {  	s31 =	rddreg [dreg:$0xd];
	[tilespmem:s0+$0x8080] =	vst @!p1 v0;
	s0 =	ssub.s32 s30, s7  }
0x9d: {  	[hbm4b:s31+s2] =	stream.linear.scatter [tilespmem:s23], [sflag:$0x4], $0x8000, $0x38;
	[tilespmem:$0x10080] =	vst v63  }
0x9e: {  	p0 =	sgt.u32 s0, $0x7FFF;
	_ =	swait.ge [sflag:s22], $0x8000  }
0x9f: {  	s1 =	sand.u32 @!p0 $0xF, s28;
	[sflag:s22] =	ssyncset.done $0x0  }
0xa0: {  	p1 =	seq.s32 @!p0 s30, s7;
	p2 =	sne.s32 @!p0 s1, $0x0;
	[sflag:s22] =	ssyncadd.s32 $0xFFFF8000  }
0xa1: {  	p1 =	por @!p0 !p1, !p2;
	_ =	swait.ge [sflag:s26], $0x8000  }
0xa2: {  	s1 =	simm.s32 @!p0 $0xFFFFFFFF;
	p1 =	por @!p0 !p1, !p1;
	[sflag:s26] =	ssyncset.done $0x0  }
0xa3: {  	s20 =	rddreg [dreg:$0xe];
	p1 =	por !p1, p0;
	[sflag:s26] =	ssyncadd.s32 $0xFFFF8000  }
0xa4: {  	[tilespmem:s23], [sflag:$0x2] =	stream.linear.gather [hbm4b:s20+s2], $0x8000, $0x38;
	[tilespmem:$0x10080] =	vst v63  }
0xa5: {  	s1 =	simm.s32 @p1 $0x0;
	s20 =	ssub.s32 s29, s7  }
0xa6: {  	s1 =	sshll.u32 @!p0 s1, $0x4;
	p1 =	sgt.u32 s20, $0x7FFF  }
0xa7: {  	s1 =	sadd.s32 @!p0 s0, s1;
	s31 =	sand.u32 @!p1 $0xF, s29  }
0xa8: {  	s1 =	sand.u32 @!p0 $0xFFFFFFF0, s1;
	p2 =	seq.s32 @!p1 s29, s7;
	p3 =	sne.s32 @!p1 s31, $0x0  }
0xa9: {  	v0 =	vld @!p0 [tilespmem:s1+$0x80];
	p2 =	por @!p1 !p2, !p3  }
0xaa: {  	p2 =	por @!p1 !p2, !p2  }
0xab: {  	s0 =	ssub.s32 @!p0 s0, s1;
	s31 =	simm.s32 @!p1 $0xFFFFFFFF;
	p2 =	por !p2, p1  }
0xac: {  	v2 =	vlaneseq.u32 @!p0;
	v1 =	vmov @!p0 s0;
	s31 =	simm.s32 @p2 $0x0  }
0xad: {  	vm1 =	veq.s32 @!p0 v1, v2;
	s0 =	sshll.u32 @!p1 s31, $0x4  }
0xae: {  	v0 =	vsel @!p0 vm1, $0x0, v0;
	s0 =	sadd.s32 @!p1 s20, s0  }
0xaf: {  	[tilespmem:s1+$0x80] =	vst @!p0 v0;
	s0 =	sand.u32 @!p1 $0xFFFFFFF0, s0  }
0xb0: {  	v0 =	vld @!p1 [tilespmem:s0+$0x80];
	_ =	sdelay $0x1  }
0xb1: {  	s1 =	ssub.s32 @!p1 s20, s0  }
0xb2: {  	v2 =	vlaneseq.u32 @!p1;
	v1 =	vmov @!p1 s1  }
0xb3: {  	vm1 =	veq.s32 @!p1 v1, v2  }
0xb4: {  	v0 =	vsel @!p1 vm1, $0x0, v0  }
0xb5: {  	s31 =	rddreg [dreg:$0xf];
	[tilespmem:s0+$0x80] =	vst @!p1 v0;
	s0 =	ssub.s32 s30, s8  }
0xb6: {  	[hbm4b:s31+s2] =	stream.linear.scatter [tilespmem:s21], [sflag:$0x3], $0x8000, $0x38;
	[tilespmem:$0x10080] =	vst v63  }
0xb7: {  	p0 =	sgt.u32 s0, $0x7FFF;
	_ =	swait.ge [sflag:s24], $0x8000  }
0xb8: {  	s1 =	sand.u32 @!p0 $0xF, s28;
	[sflag:s24] =	ssyncset.done $0x0  }
0xb9: {  	p1 =	seq.s32 @!p0 s30, s8;
	p2 =	sne.s32 @!p0 s1, $0x0;
	[sflag:s24] =	ssyncadd.s32 $0xFFFF8000  }
0xba: {  	p1 =	por @!p0 !p1, !p2;
	_ =	swait.ge [sflag:s25], $0x8000  }
0xbb: {  	s1 =	simm.s32 @!p0 $0xFFFFFFFF;
	p1 =	por @!p0 !p1, !p1;
	[sflag:s25] =	ssyncset.done $0x0  }
0xbc: {  	s20 =	rddreg [dreg:$0x10];
	p1 =	por !p1, p0;
	[sflag:s25] =	ssyncadd.s32 $0xFFFF8000  }
0xbd: {  	[tilespmem:s21], [sflag:$0x1] =	stream.linear.gather [hbm4b:s20+s2], $0x8000, $0x38;
	[tilespmem:$0x10080] =	vst v63  }
0xbe: {  	s1 =	simm.s32 @p1 $0x0;
	s20 =	ssub.s32 s29, s8  }
0xbf: {  	s1 =	sshll.u32 @!p0 s1, $0x4;
	p1 =	sgt.u32 s20, $0x7FFF  }
0xc0: {  	s1 =	sadd.s32 @!p0 s0, s1;
	s31 =	sand.u32 @!p1 $0xF, s29  }
0xc1: {  	s1 =	sand.u32 @!p0 $0xFFFFFFF0, s1;
	p2 =	seq.s32 @!p1 s29, s8;
	p3 =	sne.s32 @!p1 s31, $0x0  }
0xc2: {  	v0 =	vld @!p0 [tilespmem:s1+$0x8080];
	p2 =	por @!p1 !p2, !p3  }
0xc3: {  	p2 =	por @!p1 !p2, !p2  }
0xc4: {  	s0 =	ssub.s32 @!p0 s0, s1;
	s31 =	simm.s32 @!p1 $0xFFFFFFFF;
	p2 =	por !p2, p1  }
0xc5: {  	v2 =	vlaneseq.u32 @!p0;
	v1 =	vmov @!p0 s0;
	s31 =	simm.s32 @p2 $0x0  }
0xc6: {  	vm1 =	veq.s32 @!p0 v1, v2;
	s0 =	sshll.u32 @!p1 s31, $0x4  }
0xc7: {  	v0 =	vsel @!p0 vm1, $0x0, v0;
	s0 =	sadd.s32 @!p1 s20, s0  }
0xc8: {  	[tilespmem:s1+$0x8080] =	vst @!p0 v0;
	s0 =	sand.u32 @!p1 $0xFFFFFFF0, s0  }
0xc9: {  	v0 =	vld @!p1 [tilespmem:s0+$0x8080];
	_ =	sdelay $0x1  }
0xca: {  	s1 =	ssub.s32 @!p1 s20, s0  }
0xcb: {  	v2 =	vlaneseq.u32 @!p1;
	v1 =	vmov @!p1 s1  }
0xcc: {  	vm1 =	veq.s32 @!p1 v1, v2  }
0xcd: {  	v0 =	vsel @!p1 vm1, $0x0, v0  }
0xce: {  	s31 =	rddreg [dreg:$0x11];
	[tilespmem:s0+$0x8080] =	vst @!p1 v0;
	s0 =	ssub.s32 s30, s9  }
0xcf: {  	[hbm4b:s31+s2] =	stream.linear.scatter [tilespmem:s23], [sflag:$0x4], $0x8000, $0x38;
	[tilespmem:$0x10080] =	vst v63  }
0xd0: {  	p0 =	sgt.u32 s0, $0x7FFF;
	_ =	swait.ge [sflag:s22], $0x8000  }
0xd1: {  	s1 =	sand.u32 @!p0 $0xF, s28;
	[sflag:s22] =	ssyncset.done $0x0  }
0xd2: {  	p1 =	seq.s32 @!p0 s30, s9;
	p2 =	sne.s32 @!p0 s1, $0x0;
	[sflag:s22] =	ssyncadd.s32 $0xFFFF8000  }
0xd3: {  	p1 =	por @!p0 !p1, !p2;
	_ =	swait.ge [sflag:s26], $0x8000  }
0xd4: {  	s1 =	simm.s32 @!p0 $0xFFFFFFFF;
	p1 =	por @!p0 !p1, !p1;
	[sflag:s26] =	ssyncset.done $0x0  }
0xd5: {  	s20 =	rddreg [dreg:$0x12];
	p1 =	por !p1, p0;
	[sflag:s26] =	ssyncadd.s32 $0xFFFF8000  }
0xd6: {  	[tilespmem:s23], [sflag:$0x2] =	stream.linear.gather [hbm4b:s20+s2], $0x8000, $0x38;
	[tilespmem:$0x10080] =	vst v63  }
0xd7: {  	s1 =	simm.s32 @p1 $0x0;
	s20 =	ssub.s32 s29, s9  }
0xd8: {  	s1 =	sshll.u32 @!p0 s1, $0x4;
	p1 =	sgt.u32 s20, $0x7FFF  }
0xd9: {  	s1 =	sadd.s32 @!p0 s0, s1;
	s31 =	sand.u32 @!p1 $0xF, s29  }
0xda: {  	s1 =	sand.u32 @!p0 $0xFFFFFFF0, s1;
	p2 =	seq.s32 @!p1 s29, s9;
	p3 =	sne.s32 @!p1 s31, $0x0  }
0xdb: {  	v0 =	vld @!p0 [tilespmem:s1+$0x80];
	p2 =	por @!p1 !p2, !p3  }
0xdc: {  	p2 =	por @!p1 !p2, !p2  }
0xdd: {  	s0 =	ssub.s32 @!p0 s0, s1;
	s31 =	simm.s32 @!p1 $0xFFFFFFFF;
	p2 =	por !p2, p1  }
0xde: {  	v2 =	vlaneseq.u32 @!p0;
	v1 =	vmov @!p0 s0;
	s31 =	simm.s32 @p2 $0x0  }
0xdf: {  	vm1 =	veq.s32 @!p0 v1, v2;
	s0 =	sshll.u32 @!p1 s31, $0x4  }
0xe0: {  	v0 =	vsel @!p0 vm1, $0x0, v0;
	s0 =	sadd.s32 @!p1 s20, s0  }
0xe1: {  	[tilespmem:s1+$0x80] =	vst @!p0 v0;
	s0 =	sand.u32 @!p1 $0xFFFFFFF0, s0  }
0xe2: {  	v0 =	vld @!p1 [tilespmem:s0+$0x80];
	_ =	sdelay $0x1  }
0xe3: {  	s1 =	ssub.s32 @!p1 s20, s0  }
0xe4: {  	v2 =	vlaneseq.u32 @!p1;
	v1 =	vmov @!p1 s1  }
0xe5: {  	vm1 =	veq.s32 @!p1 v1, v2  }
0xe6: {  	v0 =	vsel @!p1 vm1, $0x0, v0  }
0xe7: {  	s31 =	rddreg [dreg:$0x13];
	[tilespmem:s0+$0x80] =	vst @!p1 v0;
	s0 =	ssub.s32 s30, s10  }
0xe8: {  	[hbm4b:s31+s2] =	stream.linear.scatter [tilespmem:s21], [sflag:$0x3], $0x8000, $0x38;
	[tilespmem:$0x10080] =	vst v63  }
0xe9: {  	p0 =	sgt.u32 s0, $0x7FFF;
	_ =	swait.ge [sflag:s24], $0x8000  }
0xea: {  	s1 =	sand.u32 @!p0 $0xF, s28;
	[sflag:s24] =	ssyncset.done $0x0  }
0xeb: {  	p1 =	seq.s32 @!p0 s30, s10;
	p2 =	sne.s32 @!p0 s1, $0x0;
	[sflag:s24] =	ssyncadd.s32 $0xFFFF8000  }
0xec: {  	p1 =	por @!p0 !p1, !p2;
	_ =	swait.ge [sflag:s25], $0x8000  }
0xed: {  	s1 =	simm.s32 @!p0 $0xFFFFFFFF;
	p1 =	por @!p0 !p1, !p1;
	[sflag:s25] =	ssyncset.done $0x0  }
0xee: {  	s20 =	rddreg [dreg:$0x14];
	p1 =	por !p1, p0;
	[sflag:s25] =	ssyncadd.s32 $0xFFFF8000  }
0xef: {  	[tilespmem:s21], [sflag:$0x1] =	stream.linear.gather [hbm4b:s20+s2], $0x8000, $0x38;
	[tilespmem:$0x10080] =	vst v63  }
0xf0: {  	s1 =	simm.s32 @p1 $0x0;
	s20 =	ssub.s32 s29, s10  }
0xf1: {  	s1 =	sshll.u32 @!p0 s1, $0x4;
	p1 =	sgt.u32 s20, $0x7FFF  }
0xf2: {  	s1 =	sadd.s32 @!p0 s0, s1;
	s31 =	sand.u32 @!p1 $0xF, s29  }
0xf3: {  	s1 =	sand.u32 @!p0 $0xFFFFFFF0, s1;
	p2 =	seq.s32 @!p1 s29, s10;
	p3 =	sne.s32 @!p1 s31, $0x0  }
0xf4: {  	v0 =	vld @!p0 [tilespmem:s1+$0x8080];
	p2 =	por @!p1 !p2, !p3  }
0xf5: {  	p2 =	por @!p1 !p2, !p2  }
0xf6: {  	s0 =	ssub.s32 @!p0 s0, s1;
	s31 =	simm.s32 @!p1 $0xFFFFFFFF;
	p2 =	por !p2, p1  }
0xf7: {  	v2 =	vlaneseq.u32 @!p0;
	v1 =	vmov @!p0 s0;
	s31 =	simm.s32 @p2 $0x0  }
0xf8: {  	vm1 =	veq.s32 @!p0 v1, v2;
	s0 =	sshll.u32 @!p1 s31, $0x4  }
0xf9: {  	v0 =	vsel @!p0 vm1, $0x0, v0;
	s0 =	sadd.s32 @!p1 s20, s0  }
0xfa: {  	[tilespmem:s1+$0x8080] =	vst @!p0 v0;
	s0 =	sand.u32 @!p1 $0xFFFFFFF0, s0  }
0xfb: {  	v0 =	vld @!p1 [tilespmem:s0+$0x8080];
	_ =	sdelay $0x1  }
0xfc: {  	s1 =	ssub.s32 @!p1 s20, s0  }
0xfd: {  	v2 =	vlaneseq.u32 @!p1;
	v1 =	vmov @!p1 s1  }
0xfe: {  	vm1 =	veq.s32 @!p1 v1, v2  }
0xff: {  	v0 =	vsel @!p1 vm1, $0x0, v0  }
0x100: {  	s31 =	rddreg [dreg:$0x15];
	[tilespmem:s0+$0x8080] =	vst @!p1 v0;
	s0 =	ssub.s32 s30, s11  }
0x101: {  	[hbm4b:s31+s2] =	stream.linear.scatter [tilespmem:s23], [sflag:$0x4], $0x8000, $0x38;
	[tilespmem:$0x10080] =	vst v63  }
0x102: {  	p0 =	sgt.u32 s0, $0x7FFF;
	_ =	swait.ge [sflag:s22], $0x8000  }
0x103: {  	s1 =	sand.u32 @!p0 $0xF, s28;
	[sflag:s22] =	ssyncset.done $0x0  }
0x104: {  	p1 =	seq.s32 @!p0 s30, s11;
	p2 =	sne.s32 @!p0 s1, $0x0;
	[sflag:s22] =	ssyncadd.s32 $0xFFFF8000  }
0x105: {  	p1 =	por @!p0 !p1, !p2;
	_ =	swait.ge [sflag:s26], $0x8000  }
0x106: {  	s1 =	simm.s32 @!p0 $0xFFFFFFFF;
	p1 =	por @!p0 !p1, !p1;
	[sflag:s26] =	ssyncset.done $0x0  }
0x107: {  	s20 =	rddreg [dreg:$0x16];
	p1 =	por !p1, p0;
	[sflag:s26] =	ssyncadd.s32 $0xFFFF8000  }
0x108: {  	[tilespmem:s23], [sflag:$0x2] =	stream.linear.gather [hbm4b:s20+s2], $0x8000, $0x38;
	[tilespmem:$0x10080] =	vst v63  }
0x109: {  	s1 =	simm.s32 @p1 $0x0;
	s20 =	ssub.s32 s29, s11  }
0x10a: {  	s1 =	sshll.u32 @!p0 s1, $0x4;
	p1 =	sgt.u32 s20, $0x7FFF  }
0x10b: {  	s1 =	sadd.s32 @!p0 s0, s1;
	s31 =	sand.u32 @!p1 $0xF, s29  }
0x10c: {  	s1 =	sand.u32 @!p0 $0xFFFFFFF0, s1;
	p2 =	seq.s32 @!p1 s29, s11;
	p3 =	sne.s32 @!p1 s31, $0x0  }
0x10d: {  	v0 =	vld @!p0 [tilespmem:s1+$0x80];
	p2 =	por @!p1 !p2, !p3  }
0x10e: {  	p2 =	por @!p1 !p2, !p2  }
0x10f: {  	s0 =	ssub.s32 @!p0 s0, s1;
	s31 =	simm.s32 @!p1 $0xFFFFFFFF;
	p2 =	por !p2, p1  }
0x110: {  	v2 =	vlaneseq.u32 @!p0;
	v1 =	vmov @!p0 s0;
	s31 =	simm.s32 @p2 $0x0  }
0x111: {  	vm1 =	veq.s32 @!p0 v1, v2;
	s0 =	sshll.u32 @!p1 s31, $0x4  }
0x112: {  	v0 =	vsel @!p0 vm1, $0x0, v0;
	s0 =	sadd.s32 @!p1 s20, s0  }
0x113: {  	[tilespmem:s1+$0x80] =	vst @!p0 v0;
	s0 =	sand.u32 @!p1 $0xFFFFFFF0, s0  }
0x114: {  	v0 =	vld @!p1 [tilespmem:s0+$0x80];
	_ =	sdelay $0x1  }
0x115: {  	s1 =	ssub.s32 @!p1 s20, s0  }
0x116: {  	v2 =	vlaneseq.u32 @!p1;
	v1 =	vmov @!p1 s1  }
0x117: {  	vm1 =	veq.s32 @!p1 v1, v2  }
0x118: {  	v0 =	vsel @!p1 vm1, $0x0, v0  }
0x119: {  	s31 =	rddreg [dreg:$0x17];
	[tilespmem:s0+$0x80] =	vst @!p1 v0;
	s0 =	ssub.s32 s30, s12  }
0x11a: {  	[hbm4b:s31+s2] =	stream.linear.scatter [tilespmem:s21], [sflag:$0x3], $0x8000, $0x38;
	[tilespmem:$0x10080] =	vst v63  }
0x11b: {  	p0 =	sgt.u32 s0, $0x7FFF;
	_ =	swait.ge [sflag:s24], $0x8000  }
0x11c: {  	s1 =	sand.u32 @!p0 $0xF, s28;
	[sflag:s24] =	ssyncset.done $0x0  }
0x11d: {  	p1 =	seq.s32 @!p0 s30, s12;
	p2 =	sne.s32 @!p0 s1, $0x0;
	[sflag:s24] =	ssyncadd.s32 $0xFFFF8000  }
0x11e: {  	p1 =	por @!p0 !p1, !p2;
	_ =	swait.ge [sflag:s25], $0x8000  }
0x11f: {  	s1 =	simm.s32 @!p0 $0xFFFFFFFF;
	p1 =	por @!p0 !p1, !p1;
	[sflag:s25] =	ssyncset.done $0x0  }
0x120: {  	s20 =	rddreg [dreg:$0x18];
	p1 =	por !p1, p0;
	[sflag:s25] =	ssyncadd.s32 $0xFFFF8000  }
0x121: {  	[tilespmem:s21], [sflag:$0x1] =	stream.linear.gather [hbm4b:s20+s2], $0x8000, $0x38;
	[tilespmem:$0x10080] =	vst v63  }
0x122: {  	s1 =	simm.s32 @p1 $0x0;
	s20 =	ssub.s32 s29, s12  }
0x123: {  	s1 =	sshll.u32 @!p0 s1, $0x4;
	p1 =	sgt.u32 s20, $0x7FFF  }
0x124: {  	s1 =	sadd.s32 @!p0 s0, s1;
	s31 =	sand.u32 @!p1 $0xF, s29  }
0x125: {  	s1 =	sand.u32 @!p0 $0xFFFFFFF0, s1;
	p2 =	seq.s32 @!p1 s29, s12;
	p3 =	sne.s32 @!p1 s31, $0x0  }
0x126: {  	v0 =	vld @!p0 [tilespmem:s1+$0x8080];
	p2 =	por @!p1 !p2, !p3  }
0x127: {  	p2 =	por @!p1 !p2, !p2  }
0x128: {  	s0 =	ssub.s32 @!p0 s0, s1;
	s31 =	simm.s32 @!p1 $0xFFFFFFFF;
	p2 =	por !p2, p1  }
0x129: {  	v2 =	vlaneseq.u32 @!p0;
	v1 =	vmov @!p0 s0;
	s31 =	simm.s32 @p2 $0x0  }
0x12a: {  	vm1 =	veq.s32 @!p0 v1, v2;
	s0 =	sshll.u32 @!p1 s31, $0x4  }
0x12b: {  	v0 =	vsel @!p0 vm1, $0x0, v0;
	s0 =	sadd.s32 @!p1 s20, s0  }
0x12c: {  	[tilespmem:s1+$0x8080] =	vst @!p0 v0;
	s0 =	sand.u32 @!p1 $0xFFFFFFF0, s0  }
0x12d: {  	v0 =	vld @!p1 [tilespmem:s0+$0x8080];
	_ =	sdelay $0x1  }
0x12e: {  	s1 =	ssub.s32 @!p1 s20, s0  }
0x12f: {  	v2 =	vlaneseq.u32 @!p1;
	v1 =	vmov @!p1 s1  }
0x130: {  	vm1 =	veq.s32 @!p1 v1, v2  }
0x131: {  	v0 =	vsel @!p1 vm1, $0x0, v0  }
0x132: {  	s31 =	rddreg [dreg:$0x19];
	[tilespmem:s0+$0x8080] =	vst @!p1 v0;
	s0 =	ssub.s32 s30, s13  }
0x133: {  	[hbm4b:s31+s2] =	stream.linear.scatter [tilespmem:s23], [sflag:$0x4], $0x8000, $0x38;
	[tilespmem:$0x10080] =	vst v63  }
0x134: {  	p0 =	sgt.u32 s0, $0x7FFF;
	_ =	swait.ge [sflag:s22], $0x8000  }
0x135: {  	s1 =	sand.u32 @!p0 $0xF, s28;
	[sflag:s22] =	ssyncset.done $0x0  }
0x136: {  	p1 =	seq.s32 @!p0 s30, s13;
	p2 =	sne.s32 @!p0 s1, $0x0;
	[sflag:s22] =	ssyncadd.s32 $0xFFFF8000  }
0x137: {  	p1 =	por @!p0 !p1, !p2;
	_ =	swait.ge [sflag:s26], $0x8000  }
0x138: {  	s1 =	simm.s32 @!p0 $0xFFFFFFFF;
	p1 =	por @!p0 !p1, !p1;
	[sflag:s26] =	ssyncset.done $0x0  }
0x139: {  	s20 =	rddreg [dreg:$0x1a];
	p1 =	por !p1, p0;
	[sflag:s26] =	ssyncadd.s32 $0xFFFF8000  }
0x13a: {  	[tilespmem:s23], [sflag:$0x2] =	stream.linear.gather [hbm4b:s20+s2], $0x8000, $0x38;
	[tilespmem:$0x10080] =	vst v63  }
0x13b: {  	s1 =	simm.s32 @p1 $0x0;
	s20 =	ssub.s32 s29, s13  }
0x13c: {  	s1 =	sshll.u32 @!p0 s1, $0x4;
	p1 =	sgt.u32 s20, $0x7FFF  }
0x13d: {  	s1 =	sadd.s32 @!p0 s0, s1;
	s31 =	sand.u32 @!p1 $0xF, s29  }
0x13e: {  	s1 =	sand.u32 @!p0 $0xFFFFFFF0, s1;
	p2 =	seq.s32 @!p1 s29, s13;
	p3 =	sne.s32 @!p1 s31, $0x0  }
0x13f: {  	v0 =	vld @!p0 [tilespmem:s1+$0x80];
	p2 =	por @!p1 !p2, !p3  }
0x140: {  	p2 =	por @!p1 !p2, !p2  }
0x141: {  	s0 =	ssub.s32 @!p0 s0, s1;
	s31 =	simm.s32 @!p1 $0xFFFFFFFF;
	p2 =	por !p2, p1  }
0x142: {  	v2 =	vlaneseq.u32 @!p0;
	v1 =	vmov @!p0 s0;
	s31 =	simm.s32 @p2 $0x0  }
0x143: {  	vm1 =	veq.s32 @!p0 v1, v2;
	s0 =	sshll.u32 @!p1 s31, $0x4  }
0x144: {  	v0 =	vsel @!p0 vm1, $0x0, v0;
	s0 =	sadd.s32 @!p1 s20, s0  }
0x145: {  	[tilespmem:s1+$0x80] =	vst @!p0 v0;
	s0 =	sand.u32 @!p1 $0xFFFFFFF0, s0  }
0x146: {  	v0 =	vld @!p1 [tilespmem:s0+$0x80];
	_ =	sdelay $0x1  }
0x147: {  	s1 =	ssub.s32 @!p1 s20, s0  }
0x148: {  	v2 =	vlaneseq.u32 @!p1;
	v1 =	vmov @!p1 s1  }
0x149: {  	vm1 =	veq.s32 @!p1 v1, v2  }
0x14a: {  	v0 =	vsel @!p1 vm1, $0x0, v0  }
0x14b: {  	s31 =	rddreg [dreg:$0x1b];
	[tilespmem:s0+$0x80] =	vst @!p1 v0;
	s0 =	ssub.s32 s30, s14  }
0x14c: {  	[hbm4b:s31+s2] =	stream.linear.scatter [tilespmem:s21], [sflag:$0x3], $0x8000, $0x38;
	[tilespmem:$0x10080] =	vst v63  }
0x14d: {  	p0 =	sgt.u32 s0, $0x7FFF;
	_ =	swait.ge [sflag:s24], $0x8000  }
0x14e: {  	s1 =	sand.u32 @!p0 $0xF, s28;
	[sflag:s24] =	ssyncset.done $0x0  }
0x14f: {  	p1 =	seq.s32 @!p0 s30, s14;
	p2 =	sne.s32 @!p0 s1, $0x0;
	[sflag:s24] =	ssyncadd.s32 $0xFFFF8000  }
0x150: {  	p1 =	por @!p0 !p1, !p2;
	_ =	swait.ge [sflag:s25], $0x8000  }
0x151: {  	s1 =	simm.s32 @!p0 $0xFFFFFFFF;
	p1 =	por @!p0 !p1, !p1;
	[sflag:s25] =	ssyncset.done $0x0  }
0x152: {  	s20 =	rddreg [dreg:$0x1c];
	p1 =	por !p1, p0;
	[sflag:s25] =	ssyncadd.s32 $0xFFFF8000  }
0x153: {  	[tilespmem:s21], [sflag:$0x1] =	stream.linear.gather [hbm4b:s20+s2], $0x8000, $0x38;
	[tilespmem:$0x10080] =	vst v63  }
0x154: {  	s1 =	simm.s32 @p1 $0x0;
	s20 =	ssub.s32 s29, s14  }
0x155: {  	s1 =	sshll.u32 @!p0 s1, $0x4;
	p1 =	sgt.u32 s20, $0x7FFF  }
0x156: {  	s1 =	sadd.s32 @!p0 s0, s1;
	s31 =	sand.u32 @!p1 $0xF, s29  }
0x157: {  	s1 =	sand.u32 @!p0 $0xFFFFFFF0, s1;
	p2 =	seq.s32 @!p1 s29, s14;
	p3 =	sne.s32 @!p1 s31, $0x0  }
0x158: {  	v0 =	vld @!p0 [tilespmem:s1+$0x8080];
	p2 =	por @!p1 !p2, !p3  }
0x159: {  	p2 =	por @!p1 !p2, !p2  }
0x15a: {  	s0 =	ssub.s32 @!p0 s0, s1;
	s31 =	simm.s32 @!p1 $0xFFFFFFFF;
	p2 =	por !p2, p1  }
0x15b: {  	v2 =	vlaneseq.u32 @!p0;
	v1 =	vmov @!p0 s0;
	s31 =	simm.s32 @p2 $0x0  }
0x15c: {  	vm1 =	veq.s32 @!p0 v1, v2;
	s0 =	sshll.u32 @!p1 s31, $0x4  }
0x15d: {  	v0 =	vsel @!p0 vm1, $0x0, v0;
	s0 =	sadd.s32 @!p1 s20, s0  }
0x15e: {  	[tilespmem:s1+$0x8080] =	vst @!p0 v0;
	s0 =	sand.u32 @!p1 $0xFFFFFFF0, s0  }
0x15f: {  	v0 =	vld @!p1 [tilespmem:s0+$0x8080];
	_ =	sdelay $0x1  }
0x160: {  	s1 =	ssub.s32 @!p1 s20, s0  }
0x161: {  	v2 =	vlaneseq.u32 @!p1;
	v1 =	vmov @!p1 s1  }
0x162: {  	vm1 =	veq.s32 @!p1 v1, v2  }
0x163: {  	v0 =	vsel @!p1 vm1, $0x0, v0  }
0x164: {  	s31 =	rddreg [dreg:$0x1d];
	[tilespmem:s0+$0x8080] =	vst @!p1 v0;
	s0 =	ssub.s32 s30, s15  }
0x165: {  	[hbm4b:s31+s2] =	stream.linear.scatter [tilespmem:s23], [sflag:$0x4], $0x8000, $0x38;
	[tilespmem:$0x10080] =	vst v63  }
0x166: {  	p0 =	sgt.u32 s0, $0x7FFF;
	_ =	swait.ge [sflag:s22], $0x8000  }
0x167: {  	s1 =	sand.u32 @!p0 $0xF, s28;
	[sflag:s22] =	ssyncset.done $0x0  }
0x168: {  	p1 =	seq.s32 @!p0 s30, s15;
	p2 =	sne.s32 @!p0 s1, $0x0;
	[sflag:s22] =	ssyncadd.s32 $0xFFFF8000  }
0x169: {  	p1 =	por @!p0 !p1, !p2;
	_ =	swait.ge [sflag:s26], $0x8000  }
0x16a: {  	s1 =	simm.s32 @!p0 $0xFFFFFFFF;
	p1 =	por @!p0 !p1, !p1;
	[sflag:s26] =	ssyncset.done $0x0  }
0x16b: {  	s20 =	rddreg [dreg:$0x1e];
	p1 =	por !p1, p0;
	[sflag:s26] =	ssyncadd.s32 $0xFFFF8000  }
0x16c: {  	[tilespmem:s23], [sflag:$0x2] =	stream.linear.gather [hbm4b:s20+s2], $0x8000, $0x38;
	[tilespmem:$0x10080] =	vst v63  }
0x16d: {  	s1 =	simm.s32 @p1 $0x0;
	s20 =	ssub.s32 s29, s15  }
0x16e: {  	s1 =	sshll.u32 @!p0 s1, $0x4;
	p1 =	sgt.u32 s20, $0x7FFF  }
0x16f: {  	s1 =	sadd.s32 @!p0 s0, s1;
	s31 =	sand.u32 @!p1 $0xF, s29  }
0x170: {  	s1 =	sand.u32 @!p0 $0xFFFFFFF0, s1;
	p2 =	seq.s32 @!p1 s29, s15;
	p3 =	sne.s32 @!p1 s31, $0x0  }
0x171: {  	v0 =	vld @!p0 [tilespmem:s1+$0x80];
	p2 =	por @!p1 !p2, !p3  }
0x172: {  	p2 =	por @!p1 !p2, !p2  }
0x173: {  	s0 =	ssub.s32 @!p0 s0, s1;
	s31 =	simm.s32 @!p1 $0xFFFFFFFF;
	p2 =	por !p2, p1  }
0x174: {  	v2 =	vlaneseq.u32 @!p0;
	v1 =	vmov @!p0 s0;
	s31 =	simm.s32 @p2 $0x0  }
0x175: {  	vm1 =	veq.s32 @!p0 v1, v2;
	s0 =	sshll.u32 @!p1 s31, $0x4  }
0x176: {  	v0 =	vsel @!p0 vm1, $0x0, v0;
	s0 =	sadd.s32 @!p1 s20, s0  }
0x177: {  	[tilespmem:s1+$0x80] =	vst @!p0 v0;
	s0 =	sand.u32 @!p1 $0xFFFFFFF0, s0  }
0x178: {  	v0 =	vld @!p1 [tilespmem:s0+$0x80];
	_ =	sdelay $0x1  }
0x179: {  	s1 =	ssub.s32 @!p1 s20, s0  }
0x17a: {  	v2 =	vlaneseq.u32 @!p1;
	v1 =	vmov @!p1 s1  }
0x17b: {  	vm1 =	veq.s32 @!p1 v1, v2  }
0x17c: {  	v0 =	vsel @!p1 vm1, $0x0, v0  }
0x17d: {  	s31 =	rddreg [dreg:$0x1f];
	[tilespmem:s0+$0x80] =	vst @!p1 v0  }
0x17e: {  	[hbm4b:s31+s2] =	stream.linear.scatter [tilespmem:s21], [sflag:$0x3], $0x8000, $0x38;
	[tilespmem:$0x10080] =	vst v63  }
0x17f: {  	s0 =	ssub.s32 s30, s16;
	_ =	swait.ge [sflag:s24], $0x8000  }
0x180: {  	p0 =	sgt.u32 s0, $0x7FFF;
	[sflag:s24] =	ssyncset.done $0x0  }
0x181: {  	s1 =	sand.u32 @!p0 $0xF, s28;
	[sflag:s24] =	ssyncadd.s32 $0xFFFF8000  }
0x182: {  	p1 =	seq.s32 @!p0 s30, s16;
	p2 =	sne.s32 @!p0 s1, $0x0;
	_ =	swait.ge [sflag:s25], $0x8000  }
0x183: {  	p1 =	por @!p0 !p1, !p2;
	s20 =	sld [smem:$0x7F9]  }
0x184: {  	p1 =	por @!p0 !p1, !p1;
	[sflag:s25] =	ssyncset.done $0x0  }
0x185: {  	s1 =	simm.s32 @!p0 $0xFFFFFFFF;
	p1 =	por !p1, p0;
	[sflag:s25] =	ssyncadd.s32 $0xFFFF8000  }
0x186: {  	[tilespmem:s21], [sflag:$0x1] =	stream.linear.gather [hbm4b:s20+s2], $0x8000, $0x38;
	[tilespmem:$0x10080] =	vst v63  }
0x187: {  	s1 =	simm.s32 @p1 $0x0;
	s20 =	ssub.s32 s29, s16  }
0x188: {  	s1 =	sshll.u32 @!p0 s1, $0x4;
	p1 =	sgt.u32 s20, $0x7FFF  }
0x189: {  	s1 =	sadd.s32 @!p0 s0, s1;
	s31 =	sand.u32 @!p1 $0xF, s29  }
0x18a: {  	s1 =	sand.u32 @!p0 $0xFFFFFFF0, s1;
	p2 =	seq.s32 @!p1 s29, s16;
	p3 =	sne.s32 @!p1 s31, $0x0  }
0x18b: {  	v0 =	vld @!p0 [tilespmem:s1+$0x8080];
	p2 =	por @!p1 !p2, !p3  }
0x18c: {  	p2 =	por @!p1 !p2, !p2  }
0x18d: {  	s0 =	ssub.s32 @!p0 s0, s1;
	s31 =	simm.s32 @!p1 $0xFFFFFFFF;
	p2 =	por !p2, p1  }
0x18e: {  	v2 =	vlaneseq.u32 @!p0;
	v1 =	vmov @!p0 s0;
	s31 =	simm.s32 @p2 $0x0  }
0x18f: {  	vm1 =	veq.s32 @!p0 v1, v2;
	s0 =	sshll.u32 @!p1 s31, $0x4  }
0x190: {  	v0 =	vsel @!p0 vm1, $0x0, v0;
	s0 =	sadd.s32 @!p1 s20, s0  }
0x191: {  	[tilespmem:s1+$0x8080] =	vst @!p0 v0;
	s0 =	sand.u32 @!p1 $0xFFFFFFF0, s0  }
0x192: {  	v0 =	vld @!p1 [tilespmem:s0+$0x8080];
	_ =	sdelay $0x1  }
0x193: {  	s1 =	ssub.s32 @!p1 s20, s0  }
0x194: {  	v2 =	vlaneseq.u32 @!p1;
	v1 =	vmov @!p1 s1  }
0x195: {  	s31 =	sld [smem:$0x7FA];
	vm1 =	veq.s32 @!p1 v1, v2  }
0x196: {  	v0 =	vsel @!p1 vm1, $0x0, v0  }
0x197: {  	[tilespmem:s0+$0x8080] =	vst @!p1 v0  }
0x198: {  	[hbm4b:s31+s2] =	stream.linear.scatter [tilespmem:s23], [sflag:$0x4], $0x8000, $0x38;
	[tilespmem:$0x10080] =	vst v63  }
0x199: {  	_ =	swait.ge [sflag:s22], $0x8000  }
0x19a: {  	[sflag:s22] =	ssyncset.done $0x0  }
0x19b: {  	[sflag:s22] =	ssyncadd.s32 $0xFFFF8000  }
0x19c: {  	_ =	swait.ge [sflag:s26], $0x8000  }
0x19d: {  	s1 =	sld [smem:$0x7FB]  }
0x19e: {  	s0 =	ssub.s32 s30, s17;
	[sflag:s26] =	ssyncset.done $0x0  }
0x19f: {  	p0 =	sgt.u32 s0, $0x7FFF;
	[sflag:s26] =	ssyncadd.s32 $0xFFFF8000  }
0x1a0: {  	[tilespmem:s23], [sflag:$0x2] =	stream.linear.gather [hbm4b:s1+s2], $0x8000, $0x38;
	[tilespmem:$0x10080] =	vst v63  }
0x1a1: {  	s1 =	sand.u32 @!p0 $0xF, s28  }
0x1a2: {  	p1 =	seq.s32 @!p0 s30, s17;
	p2 =	sne.s32 @!p0 s1, $0x0  }
0x1a3: {  	p1 =	por @!p0 !p1, !p2  }
0x1a4: {  	p1 =	por @!p0 !p1, !p1  }
0x1a5: {  	s1 =	simm.s32 @!p0 $0xFFFFFFFF;
	p1 =	por !p1, p0  }
0x1a6: {  	s20 =	ssub.s32 s29, s17;
	s1 =	simm.s32 @p1 $0x0  }
0x1a7: {  	p1 =	sgt.u32 s20, $0x7FFF;
	s1 =	sshll.u32 @!p0 s1, $0x4  }
0x1a8: {  	s31 =	sand.u32 @!p1 $0xF, s29;
	s1 =	sadd.s32 @!p0 s0, s1  }
0x1a9: {  	p2 =	seq.s32 @!p1 s29, s17;
	p3 =	sne.s32 @!p1 s31, $0x0;
	s1 =	sand.u32 @!p0 $0xFFFFFFF0, s1  }
0x1aa: {  	p2 =	por @!p1 !p2, !p3;
	v0 =	vld @!p0 [tilespmem:s1+$0x80]  }
0x1ab: {  	p2 =	por @!p1 !p2, !p2  }
0x1ac: {  	s31 =	simm.s32 @!p1 $0xFFFFFFFF;
	s0 =	ssub.s32 @!p0 s0, s1;
	p2 =	por !p2, p1  }
0x1ad: {  	v2 =	vlaneseq.u32 @!p0;
	v1 =	vmov @!p0 s0;
	s31 =	simm.s32 @p2 $0x0  }
0x1ae: {  	vm1 =	veq.s32 @!p0 v1, v2;
	s0 =	sshll.u32 @!p1 s31, $0x4  }
0x1af: {  	s0 =	sadd.s32 @!p1 s20, s0;
	v0 =	vsel @!p0 vm1, $0x0, v0  }
0x1b0: {  	s0 =	sand.u32 @!p1 $0xFFFFFFF0, s0;
	[tilespmem:s1+$0x80] =	vst @!p0 v0  }
0x1b1: {  	v0 =	vld @!p1 [tilespmem:s0+$0x80];
	_ =	sdelay $0x1  }
0x1b2: {  	s1 =	ssub.s32 @!p1 s20, s0  }
0x1b3: {  	v2 =	vlaneseq.u32 @!p1;
	v1 =	vmov @!p1 s1  }
0x1b4: {  	s20 =	sld [smem:$0x7FC];
	vm1 =	veq.s32 @!p1 v1, v2  }
0x1b5: {  	v0 =	vsel @!p1 vm1, $0x0, v0  }
0x1b6: {  	[tilespmem:s0+$0x80] =	vst @!p1 v0;
	s0 =	ssub.s32 s30, s18  }
0x1b7: {  	[hbm4b:s20+s2] =	stream.linear.scatter [tilespmem:s21], [sflag:$0x3], $0x8000, $0x38;
	[tilespmem:$0x10080] =	vst v63  }
0x1b8: {  	p0 =	sgt.u32 s0, $0x7FFF  }
0x1b9: {  	s1 =	sand.u32 @!p0 $0xF, s28  }
0x1ba: {  	p1 =	seq.s32 @!p0 s30, s18;
	p2 =	sne.s32 @!p0 s1, $0x0  }
0x1bb: {  	p1 =	por @!p0 !p1, !p2  }
0x1bc: {  	p1 =	por @!p0 !p1, !p1  }
0x1bd: {  	s1 =	simm.s32 @!p0 $0xFFFFFFFF;
	p1 =	por !p1, p0  }
0x1be: {  	s20 =	ssub.s32 s29, s18;
	_ =	swait.ge [sflag:s24], $0x8000;
	s1 =	simm.s32 @p1 $0x0  }
0x1bf: {  	[sflag:s24] =	ssyncset.done $0x0;
	p1 =	sgt.u32 s20, $0x7FFF;
	s1 =	sshll.u32 @!p0 s1, $0x4  }
0x1c0: {  	[sflag:s24] =	ssyncadd.s32 $0xFFFF8000;
	s28 =	sand.u32 @!p1 $0xF, s29;
	s1 =	sadd.s32 @!p0 s0, s1  }
0x1c1: {  	p2 =	seq.s32 @!p1 s29, s18;
	p3 =	sne.s32 @!p1 s28, $0x0;
	s1 =	sand.u32 @!p0 $0xFFFFFFF0, s1  }
0x1c2: {  	p2 =	por @!p1 !p2, !p3;
	v0 =	vld @!p0 [tilespmem:s1+$0x8080]  }
0x1c3: {  	p2 =	por @!p1 !p2, !p2  }
0x1c4: {  	s28 =	simm.s32 @!p1 $0xFFFFFFFF;
	s0 =	ssub.s32 @!p0 s0, s1;
	p2 =	por !p2, p1  }
0x1c5: {  	v2 =	vlaneseq.u32 @!p0;
	v1 =	vmov @!p0 s0;
	s28 =	simm.s32 @p2 $0x0  }
0x1c6: {  	vm1 =	veq.s32 @!p0 v1, v2;
	s0 =	sshll.u32 @!p1 s28, $0x4  }
0x1c7: {  	s0 =	sadd.s32 @!p1 s20, s0;
	v0 =	vsel @!p0 vm1, $0x0, v0  }
0x1c8: {  	s0 =	sand.u32 @!p1 $0xFFFFFFF0, s0;
	[tilespmem:s1+$0x8080] =	vst @!p0 v0  }
0x1c9: {  	v0 =	vld @!p1 [tilespmem:s0+$0x8080];
	_ =	sdelay $0x1  }
0x1ca: {  	s1 =	ssub.s32 @!p1 s20, s0  }
0x1cb: {  	v2 =	vlaneseq.u32 @!p1;
	v1 =	vmov @!p1 s1  }
0x1cc: {  	s31 =	sld [smem:$0x7FD];
	vm1 =	veq.s32 @!p1 v1, v2  }
0x1cd: {  	v0 =	vsel @!p1 vm1, $0x0, v0  }
0x1ce: {  	s19 =	sadd.s32 $0xFFFFFFFF, s19;
	[tilespmem:s0+$0x8080] =	vst @!p1 v0  }
0x1cf: {  	[hbm4b:s31+s2] =	stream.linear.scatter [tilespmem:s23], [sflag:$0x4], $0x8000, $0x38;
	[tilespmem:$0x10080] =	vst v63  }
0x1d0: {  	p0 =	sne.s32 s19, $0x0;
	_ =	swait.ge [sflag:s26], $0x8000  }
.Ltmp0:
0x1d1: {  	[sflag:s26] =	ssyncset.done $0x0;
	(pc) =	sbr.rel @p0 .LBB2_1-.Ltmp0, $4  }
0x1d2: {  	[sflag:s26] =	ssyncadd.s32 $0xFFFF8000  }
0x1d3: {  	_ =	swait.ge [sflag:s25], $0x8000  }
0x1d4: {  	[sflag:s25] =	ssyncset.done $0x0  }
0x1d5: {  	[sflag:s25] =	ssyncadd.s32 $0xFFFF8000  }
0x1d6: {  	_ =	sfence.sel $0x180000  }
0x1d7: {  	[bflag:$0x0] =	sbarrier.arrive $0xFFFF  }
0x1d8: {  	_ =	strace $0x90000047  }
0x1d9: {  	s0 =	stileid.u32;
	[bflag:$0x2] =	sbarrier.arrive $0xFFFF  }
0x1da: {  	p0 =	sne.s32 s0, $0x0;
	s0 =	rddreg [dreg:$0x3]  }
0x1db: {  	s0 =	sadd.s32 @!p0 $0x100000, s0  }
0x1dc: {  	[sflag:s0] =	ssyncadd.tile.s32 @!p0 $0x1;
	_ =	shalt  }
.Lfunc_end2:
_tile_overlayer_lowered:
.L_overlay_start_2:
0x1dd: {  	(tag) =	ssettag $0x2  }
0x1de: {  	s0 =	rddreg [dreg:$0x0];
	s2 =	stileid.u32  }
0x1df: {  	s1 =	rddreg [dreg:$0x1];
	p0 =	sne.s32 s2, $0x0  }
0x1e0: {  	s3 =	rddreg [dreg:$0x2];
	[bflag:$0x3] =	sbarrier.arrive $0xFFFF;
	s2 =	simm.s32 @!p0 $0x1C05  }
0x1e1: {  	[timem:s3], [sflag:s2] =	dma.local @!p0 [hbm:s0], s1  }
0x1e2: {  	s0 =	simm.s32 @!p0 $0x5  }
0x1e3: {  	_ =	swait.ge @!p0 [sflag:s0], s1  }
0x1e4: {  	s1 =	ssub.s32 @!p0 $0x0, s1;
	[sflag:s0] =	ssyncset.done @!p0 $0x0  }
0x1e5: {  	[sflag:s0] =	ssyncadd.s32 @!p0 s1  }
0x1e6: {  	[bflag:$0x3] =	sbarrier.arrive $0xFFFF  }
0x1e7: {  	_ =	shalt  }

</sc_bundles>
